<compile_context>
chip_gen: v7x
topology: tpu7x:2x2x1
jax: 0.10.2.dev20260603
libtpu: 0.0.44.dev20260713+nightly
codegen_flags: <defaults>
</compile_context>

<pallas_src>
import functools
import math

import jax
import jax.numpy as jnp
from jax import lax
from jax.experimental import pallas as pl
from jax.experimental.pallas import tpu as pltpu
from jax.experimental.pallas import tpu_sc as plsc

D_MODEL_ = 768
D_FF_ = 3072
N_EXP_ = 8
SEQ_ = 2048
TOPK_ = 2

TM = 512
T_MAX = SEQ_ * TOPK_ // TM + N_EXP_
T_PAD = T_MAX * TM

NW = 32
CH = SEQ_ // NW


def _gelu_exact(h):
    return 0.5 * h * (1.0 + lax.erf(h * (1.0 / math.sqrt(2.0))))


def _route_body(x_ref, gw_ref, gb_ref,
                w1_ref, w2_ref, p1_ref, p2_ref, eid_ref, tot_ref):
    S, E = SEQ_, N_EXP_
    lg = lax.dot_general(
        x_ref[...].astype(jnp.bfloat16), gw_ref[...].astype(jnp.bfloat16),
        (((1,), (1,)), ((), ())),
        preferred_element_type=jnp.float32) + gb_ref[...]
    eio = lax.broadcasted_iota(jnp.int32, (S, E), 1)
    big = jnp.float32(1e30)
    m1 = jnp.max(lg, axis=1, keepdims=True)
    i1 = jnp.min(jnp.where(lg >= m1, eio, E), axis=1, keepdims=True)
    sel1 = eio == i1
    l2 = jnp.where(sel1, -big, lg)
    m2 = jnp.max(l2, axis=1, keepdims=True)
    i2 = jnp.min(jnp.where(l2 >= m2, eio, E), axis=1, keepdims=True)
    sel2 = eio == i2
    sel = sel1 | sel2
    ml = jnp.where(sel, lg, -big)
    pe = jnp.exp(ml - jnp.max(ml, axis=1, keepdims=True))
    w = pe / jnp.sum(pe, axis=1, keepdims=True)
    w1c = jnp.sum(jnp.where(sel1, w, 0.0), axis=1, keepdims=True)
    w2c = jnp.sum(jnp.where(sel2, w, 0.0), axis=1, keepdims=True)
    w1_ref[...] = jnp.broadcast_to(w1c, (S, 128))
    w2_ref[...] = jnp.broadcast_to(w2c, (S, 128))

    maskf = sel.astype(jnp.float32)
    rio = lax.broadcasted_iota(jnp.int32, (S, S), 0)
    cio = lax.broadcasted_iota(jnp.int32, (S, S), 1)
    ltri = (cio <= rio).astype(jnp.bfloat16)
    r_inc = lax.dot_general(
        ltri, maskf.astype(jnp.bfloat16), (((1,), (0,)), ((), ())),
        preferred_element_type=jnp.float32)
    r_exc = r_inc - maskf
    cnt = jnp.max(r_inc, axis=0, keepdims=True)
    inv_tm = jnp.float32(1.0 / TM)
    tiles = jnp.floor((cnt + (TM - 1)) * inv_tm)
    s8 = (lax.broadcasted_iota(jnp.int32, (E, E), 0)
          < lax.broadcasted_iota(jnp.int32, (E, E), 1)).astype(jnp.bfloat16)
    start_t = lax.dot_general(
        tiles.astype(jnp.bfloat16), s8, (((1,), (0,)), ((), ())),
        preferred_element_type=jnp.float32)
    pos = start_t * TM + r_exc
    p1_ref[...] = jnp.sum(jnp.where(sel1, pos, 0.0), axis=1,
                          keepdims=True).astype(jnp.int32)
    p2_ref[...] = jnp.sum(jnp.where(sel2, pos, 0.0), axis=1,
                          keepdims=True).astype(jnp.int32)

    end_t = start_t + tiles
    tio = lax.broadcasted_iota(jnp.int32, (32, E), 0).astype(jnp.float32)
    ended = jnp.sum((tio >= end_t).astype(jnp.float32), axis=1,
                    keepdims=True)
    eid_ref[...] = jnp.minimum(ended, float(N_EXP_ - 1)).astype(jnp.int32)
    tot_ref[...] = jnp.sum(tiles, axis=1, keepdims=True).astype(jnp.int32)


def _route(x2, gate_w, gb2):
    outs = pl.pallas_call(
        _route_body,
        grid=(1,),
        in_specs=[
            pl.BlockSpec((SEQ_, D_MODEL_), lambda i: (0, 0)),
            pl.BlockSpec((N_EXP_, D_MODEL_), lambda i: (0, 0)),
            pl.BlockSpec((1, N_EXP_), lambda i: (0, 0)),
        ],
        out_specs=[
            pl.BlockSpec((SEQ_, 128), lambda i: (0, 0)),
            pl.BlockSpec((SEQ_, 128), lambda i: (0, 0)),
            pl.BlockSpec((SEQ_, 1), lambda i: (0, 0)),
            pl.BlockSpec((SEQ_, 1), lambda i: (0, 0)),
            pl.BlockSpec((32, 1), lambda i: (0, 0)),
            pl.BlockSpec((1, 1), lambda i: (0, 0)),
        ],
        out_shape=[
            jax.ShapeDtypeStruct((SEQ_, 128), jnp.float32),
            jax.ShapeDtypeStruct((SEQ_, 128), jnp.float32),
            jax.ShapeDtypeStruct((SEQ_, 1), jnp.int32),
            jax.ShapeDtypeStruct((SEQ_, 1), jnp.int32),
            jax.ShapeDtypeStruct((32, 1), jnp.int32),
            jax.ShapeDtypeStruct((1, 1), jnp.int32),
        ],
    )(x2, gate_w, gb2)
    return outs


def _dispatch_body(x_hbm, p1_hbm, p2_hbm, w1_hbm, w2_hbm,
                   xg_hbm, wg_hbm,
                   p1v, p2v, xv, w1v, w2v, sem):
    cid = lax.axis_index("c")
    sid = lax.axis_index("s")
    wid = cid * 16 + sid
    base = wid * CH
    lds = [
        pltpu.async_copy(p1_hbm.at[pl.ds(base, CH)], p1v, sem),
        pltpu.async_copy(p2_hbm.at[pl.ds(base, CH)], p2v, sem),
        pltpu.async_copy(x_hbm.at[pl.ds(base, CH)], xv, sem),
        pltpu.async_copy(w1_hbm.at[pl.ds(base, CH)], w1v, sem),
        pltpu.async_copy(w2_hbm.at[pl.ds(base, CH)], w2v, sem),
    ]
    for c in lds:
        c.wait()
    sts = [
        pltpu.async_copy(xv, xg_hbm.at[p1v], sem),
        pltpu.async_copy(xv, xg_hbm.at[p2v], sem),
        pltpu.async_copy(w1v, wg_hbm.at[p1v], sem),
        pltpu.async_copy(w2v, wg_hbm.at[p2v], sem),
    ]
    for c in sts:
        c.wait()


def _dispatch(x2, pos1, pos2, w1x, w2x):
    mesh = plsc.VectorSubcoreMesh(core_axis_name="c", subcore_axis_name="s")
    f = functools.partial(
        pl.kernel,
        mesh=mesh,
        out_type=[
            jax.ShapeDtypeStruct((T_PAD, D_MODEL_), jnp.float32),
            jax.ShapeDtypeStruct((T_PAD, 128), jnp.float32),
        ],
        scratch_types=[
            pltpu.VMEM((CH,), jnp.int32),
            pltpu.VMEM((CH,), jnp.int32),
            pltpu.VMEM((CH, D_MODEL_), jnp.float32),
            pltpu.VMEM((CH, 128), jnp.float32),
            pltpu.VMEM((CH, 128), jnp.float32),
            pltpu.SemaphoreType.DMA,
        ],
    )(_dispatch_body)
    return f(x2, pos1, pos2, w1x, w2x)


def _ffn_body(eid_ref, tot_ref, xg_ref, f1w_ref, f1b_ref, f2w_ref, f2b_ref,
              wg_ref, yg_ref):
    t = pl.program_id(0)

    @pl.when(t < tot_ref[0])
    def _():
        xb = xg_ref[...].astype(jnp.bfloat16)
        h = lax.dot_general(
            xb, f1w_ref[0], (((1,), (1,)), ((), ())),
            preferred_element_type=jnp.float32) + f1b_ref[0]
        h = _gelu_exact(h)
        y = lax.dot_general(
            h.astype(jnp.bfloat16), f2w_ref[0], (((1,), (1,)), ((), ())),
            preferred_element_type=jnp.float32) + f2b_ref[0]
        wcol = wg_ref[:, 0:1]
        yg_ref[...] = y * wcol


def _ffn(eid, tot, xg, f1w_b, fc1_b3, f2w_b, fc2_b3, wg2):
    grid_spec = pltpu.PrefetchScalarGridSpec(
        num_scalar_prefetch=2,
        grid=(T_MAX,),
        in_specs=[
            pl.BlockSpec((TM, D_MODEL_), lambda t, eid, tot: (t, 0)),
            pl.BlockSpec((1, D_FF_, D_MODEL_),
                         lambda t, eid, tot: (eid[t], 0, 0)),
            pl.BlockSpec((1, 1, D_FF_), lambda t, eid, tot: (eid[t], 0, 0)),
            pl.BlockSpec((1, D_MODEL_, D_FF_),
                         lambda t, eid, tot: (eid[t], 0, 0)),
            pl.BlockSpec((1, 1, D_MODEL_), lambda t, eid, tot: (eid[t], 0, 0)),
            pl.BlockSpec((TM, 128), lambda t, eid, tot: (t, 0)),
        ],
        out_specs=pl.BlockSpec((TM, D_MODEL_), lambda t, eid, tot: (t, 0)),
    )
    return pl.pallas_call(
        _ffn_body,
        grid_spec=grid_spec,
        out_shape=jax.ShapeDtypeStruct((T_PAD, D_MODEL_), jnp.float32),
    )(eid, tot, xg, f1w_b, fc1_b3, f2w_b, fc2_b3, wg2)


def _combine_body(yg_hbm, p1_hbm, p2_hbm, out_hbm, p1v, p2v, y1v, y2v, sem):
    cid = lax.axis_index("c")
    sid = lax.axis_index("s")
    wid = cid * 16 + sid
    base = wid * CH
    c1 = pltpu.async_copy(p1_hbm.at[pl.ds(base, CH)], p1v, sem)
    c2 = pltpu.async_copy(p2_hbm.at[pl.ds(base, CH)], p2v, sem)
    c1.wait()
    c2.wait()
    g1 = pltpu.async_copy(yg_hbm.at[p1v], y1v, sem)
    g2 = pltpu.async_copy(yg_hbm.at[p2v], y2v, sem)
    g1.wait()
    g2.wait()

    def row_body(r, carry):
        for j in range(D_MODEL_ // 16):
            sl = pl.ds(j * 16, 16)
            y1v[r, sl] = y1v[r, sl] + y2v[r, sl]
        return carry

    lax.fori_loop(0, CH, row_body, 0)
    pltpu.sync_copy(y1v, out_hbm.at[pl.ds(base, CH)])


def _combine(yg, pos1, pos2):
    mesh = plsc.VectorSubcoreMesh(core_axis_name="c", subcore_axis_name="s")
    f = functools.partial(
        pl.kernel,
        mesh=mesh,
        out_type=jax.ShapeDtypeStruct((SEQ_, D_MODEL_), jnp.float32),
        scratch_types=[
            pltpu.VMEM((CH,), jnp.int32),
            pltpu.VMEM((CH,), jnp.int32),
            pltpu.VMEM((CH, D_MODEL_), jnp.float32),
            pltpu.VMEM((CH, D_MODEL_), jnp.float32),
            pltpu.SemaphoreType.DMA,
        ],
    )(_combine_body)
    return f(yg, pos1, pos2)


def kernel(x, gate_w, gate_b, fc1_w, fc1_b, fc2_w, fc2_b):
    B, S, D = x.shape
    x2 = x.reshape(S, D)
    gb2 = gate_b.reshape(1, N_EXP_)
    w1, w2, pos1, pos2, eid, tot = _route(x2, gate_w, gb2)
    pos1 = pos1.reshape(S)
    pos2 = pos2.reshape(S)
    xg, wg = _dispatch(x2, pos1, pos2, w1, w2)
    yg = _ffn(eid.reshape(32), tot.reshape(1), xg,
              fc1_w.astype(jnp.bfloat16),
              fc1_b.reshape(N_EXP_, 1, D_FF_),
              fc2_w.astype(jnp.bfloat16),
              fc2_b.reshape(N_EXP_, 1, D_MODEL_),
              wg)
    out = _combine(yg, pos1, pos2)
    return out.reshape(B, S, D)

# --- scband reference (transcript-rebuilt; emitter-appended) ---
"""Pipeline reference for scband-mo-e-171798692232 (READ-ONLY COPY).

The authoritative reference and input builder live on the scoring server;
editing this copy changes nothing except your own understanding.
"""

import jax, jax.numpy as jnp
import numpy as np

D_MODEL = 768
D_FF = 3072
N_EXPERTS = 8
TOP_K = 2
BATCH = 1
SEQ = 2048


def setup_inputs(seed: int = 0) -> dict:
    key = jax.random.key(seed)
    ks = jax.random.split(key, 8)
    x = jax.random.normal(ks[0], (BATCH, SEQ, D_MODEL), dtype=jnp.float32)
    # gate: Linear(d_model -> n_experts)
    gate_w = jax.random.normal(ks[1], (N_EXPERTS, D_MODEL), dtype=jnp.float32) * (1.0 / np.sqrt(D_MODEL))
    gate_b = jnp.zeros((N_EXPERTS,), dtype=jnp.float32)
    # experts: stacked fc1 (d_model -> d_ff) and fc2 (d_ff -> d_model)
    fc1_w = jax.random.normal(ks[2], (N_EXPERTS, D_FF, D_MODEL), dtype=jnp.float32) * (1.0 / np.sqrt(D_MODEL))
    fc1_b = jnp.zeros((N_EXPERTS, D_FF), dtype=jnp.float32)
    fc2_w = jax.random.normal(ks[3], (N_EXPERTS, D_MODEL, D_FF), dtype=jnp.float32) * (1.0 / np.sqrt(D_FF))
    fc2_b = jnp.zeros((N_EXPERTS, D_MODEL), dtype=jnp.float32)
    return {"x": x, "gate_w": gate_w, "gate_b": gate_b, "fc1_w": fc1_w,
            "fc1_b": fc1_b, "fc2_w": fc2_w, "fc2_b": fc2_b}


def reference(x, gate_w, gate_b, fc1_w, fc1_b, fc2_w, fc2_b):
    # gate logits and softmax probs
    logits = jnp.einsum('bsd,ed->bse', x, gate_w) + gate_b  # [B, S, E]
    probs = jax.nn.softmax(logits, axis=-1)
    # top-k masking (k < n_experts)
    if TOP_K < N_EXPERTS:
        topk_vals, topk_idx = jax.lax.top_k(probs, TOP_K)  # [B, S, k]
        mask = jnp.sum(jax.nn.one_hot(topk_idx, N_EXPERTS, dtype=probs.dtype), axis=-2)  # [B, S, E]
        probs = probs * mask
        denom = jnp.sum(probs, axis=-1, keepdims=True)
        denom = denom + (denom == 0).astype(probs.dtype)
        probs = probs / denom
    # dense expert computation for every expert on every token
    h = jnp.einsum('bsd,efd->bsef', x, fc1_w) + fc1_b  # [B, S, E, d_ff]
    h = jax.nn.gelu(h, approximate=False)
    # dropout is identity in eval / p=0
    eo = jnp.einsum('bsef,edf->bsed', h, fc2_w) + fc2_b  # [B, S, E, d_model]
    moe_out = jnp.sum(probs[..., None] * eo, axis=2)  # [B, S, d_model]
    return moe_out

if __name__ == "__main__":
    import jax
    _d = setup_inputs()
    print(jax.jit(kernel)(*tuple(_d.values())))

</pallas_src>

<mosaic_0001>
#map = affine_map<(d0, d1) -> (0, 0)>
#map1 = affine_map<(d0, d1) -> (0)>
module attributes {stable_mosaic.version = 14 : i64} {
  func.func @_combine_body(%arg0: i32, %arg1: i32, %arg2: memref<8192x768xf32, #tpu.memory_space<hbm>>, %arg3: memref<2048xi32, #tpu.memory_space<hbm>>, %arg4: memref<2048xi32, #tpu.memory_space<hbm>>, %arg5: memref<2048x768xf32, #tpu.memory_space<hbm>>, %arg6: memref<64xi32, #tpu.memory_space<vmem>>, %arg7: memref<64xi32, #tpu.memory_space<vmem>>, %arg8: memref<64x768xf32, #tpu.memory_space<vmem>>, %arg9: memref<64x768xf32, #tpu.memory_space<vmem>>, %arg10: memref<!tpu.dma_semaphore, #tpu.memory_space<semaphore_mem>>) attributes {dimension_semantics = [#tpu.dimension_semantics<core_parallel>, #tpu.dimension_semantics<subcore_parallel>], iteration_bounds = array<i64: 2, 16>, scalar_prefetch = 0 : i64, scratch_operands = 5 : i64, tpu.core_type = #tpu.core_type<sc_vector_subcore>, window_params = [{transform_indices = #map}, {transform_indices = #map1}, {transform_indices = #map1}, {transform_indices = #map}]} {
    %mul3A = arith.constant 16 : i32
    %mul3A_0 = arith.muli %arg0, %mul3A : i32
    %add3A = arith.addi %mul3A_0, %arg1 : i32
    %mul3A_1 = arith.constant 64 : i32
    %mul3A_2 = arith.muli %add3A, %mul3A_1 : i32
    %dma_start3A = tpu.memref_slice %arg3[%mul3A_2] : memref<2048xi32, #tpu.memory_space<hbm>> -> memref<64xi32, #tpu.memory_space<hbm>>
    %dma_start3A_3 = tpu.memref_slice %arg3[%mul3A_2] : memref<2048xi32, #tpu.memory_space<hbm>> -> memref<64xi32, #tpu.memory_space<hbm>>
    tpu.enqueue_dma source(%dma_start3A_3 : memref<64xi32, #tpu.memory_space<hbm>>) target(%arg6 : memref<64xi32, #tpu.memory_space<vmem>>) target_semaphore(%arg10 : memref<!tpu.dma_semaphore, #tpu.memory_space<semaphore_mem>>)
    %dma_start3A_4 = tpu.memref_slice %arg4[%mul3A_2] : memref<2048xi32, #tpu.memory_space<hbm>> -> memref<64xi32, #tpu.memory_space<hbm>>
    %dma_start3A_5 = tpu.memref_slice %arg4[%mul3A_2] : memref<2048xi32, #tpu.memory_space<hbm>> -> memref<64xi32, #tpu.memory_space<hbm>>
    tpu.enqueue_dma source(%dma_start3A_5 : memref<64xi32, #tpu.memory_space<hbm>>) target(%arg7 : memref<64xi32, #tpu.memory_space<vmem>>) target_semaphore(%arg10 : memref<!tpu.dma_semaphore, #tpu.memory_space<semaphore_mem>>)
    %dma_wait3A = tpu.memref_slice %arg3[%mul3A_2] : memref<2048xi32, #tpu.memory_space<hbm>> -> memref<64xi32, #tpu.memory_space<hbm>>
    %dma_wait3A_6 = tpu.memref_slice %arg3[%mul3A_2] : memref<2048xi32, #tpu.memory_space<hbm>> -> memref<64xi32, #tpu.memory_space<hbm>>
    tpu.wait_dma2 semaphore(%arg10 : memref<!tpu.dma_semaphore, #tpu.memory_space<semaphore_mem>>) src(%dma_wait3A_6 : memref<64xi32, #tpu.memory_space<hbm>>) dst(%arg6 : memref<64xi32, #tpu.memory_space<vmem>>)
    %dma_wait3A_7 = tpu.memref_slice %arg4[%mul3A_2] : memref<2048xi32, #tpu.memory_space<hbm>> -> memref<64xi32, #tpu.memory_space<hbm>>
    %dma_wait3A_8 = tpu.memref_slice %arg4[%mul3A_2] : memref<2048xi32, #tpu.memory_space<hbm>> -> memref<64xi32, #tpu.memory_space<hbm>>
    tpu.wait_dma2 semaphore(%arg10 : memref<!tpu.dma_semaphore, #tpu.memory_space<semaphore_mem>>) src(%dma_wait3A_8 : memref<64xi32, #tpu.memory_space<hbm>>) dst(%arg7 : memref<64xi32, #tpu.memory_space<vmem>>)
    %dma_start3A_9 = arith.constant 0 : i32
    %dma_start3A_10 = arith.constant 0 : i32
    %dma_start3A_11 = tpu.memref_slice %arg2[%dma_start3A_9, %dma_start3A_10] : memref<8192x768xf32, #tpu.memory_space<hbm>> -> memref<8192x768xf32, #tpu.memory_space<hbm>>
    tpu.enqueue_indirect_dma source(%dma_start3A_11 : memref<8192x768xf32, #tpu.memory_space<hbm>>) target(%arg8 : memref<64x768xf32, #tpu.memory_space<vmem>>) offsets(%arg6 : memref<64xi32, #tpu.memory_space<vmem>>) semaphore(%arg10 : memref<!tpu.dma_semaphore, #tpu.memory_space<semaphore_mem>>)
    %dma_start3A_12 = arith.constant 0 : i32
    %dma_start3A_13 = arith.constant 0 : i32
    %dma_start3A_14 = tpu.memref_slice %arg2[%dma_start3A_12, %dma_start3A_13] : memref<8192x768xf32, #tpu.memory_space<hbm>> -> memref<8192x768xf32, #tpu.memory_space<hbm>>
    tpu.enqueue_indirect_dma source(%dma_start3A_14 : memref<8192x768xf32, #tpu.memory_space<hbm>>) target(%arg9 : memref<64x768xf32, #tpu.memory_space<vmem>>) offsets(%arg7 : memref<64xi32, #tpu.memory_space<vmem>>) semaphore(%arg10 : memref<!tpu.dma_semaphore, #tpu.memory_space<semaphore_mem>>)
    %dma_wait3A_15 = arith.constant 0 : i32
    %dma_wait3A_16 = arith.constant 0 : i32
    %dma_wait3A_17 = tpu.memref_slice %arg2[%dma_wait3A_15, %dma_wait3A_16] : memref<8192x768xf32, #tpu.memory_space<hbm>> -> memref<8192x768xf32, #tpu.memory_space<hbm>>
    tpu.wait_indirect_dma semaphore(%arg10 : memref<!tpu.dma_semaphore, #tpu.memory_space<semaphore_mem>>) src(%dma_wait3A_17 : memref<8192x768xf32, #tpu.memory_space<hbm>>) dst(%arg8 : memref<64x768xf32, #tpu.memory_space<vmem>>)
    %dma_wait3A_18 = arith.constant 0 : i32
    %dma_wait3A_19 = arith.constant 0 : i32
    %dma_wait3A_20 = tpu.memref_slice %arg2[%dma_wait3A_18, %dma_wait3A_19] : memref<8192x768xf32, #tpu.memory_space<hbm>> -> memref<8192x768xf32, #tpu.memory_space<hbm>>
    tpu.wait_indirect_dma semaphore(%arg10 : memref<!tpu.dma_semaphore, #tpu.memory_space<semaphore_mem>>) src(%dma_wait3A_20 : memref<8192x768xf32, #tpu.memory_space<hbm>>) dst(%arg9 : memref<64x768xf32, #tpu.memory_space<vmem>>)
    %scan3A = arith.constant 0 : i32
    %scan3A_21 = arith.constant 0 : i32
    %scan3A_22 = arith.constant 64 : i32
    %scan3A_23 = arith.addi %scan3A_21, %scan3A_22 : i32
    %scan3A_24 = arith.constant 1 : i32
    scf.for %scan3A_26 = %scan3A_21 to %scan3A_23 step %scan3A_24  : i32 {
      %get3A = arith.index_cast %scan3A_26 : i32 to index
      %get3A_27 = arith.constant 0 : index
      %get3A_28 = tpu.vector_load %arg8[%get3A, %get3A_27] {strides = array<i32>} : memref<64x768xf32, #tpu.memory_space<vmem>>, vector<1x16xf32>,
      %get3A_29 = vector.shape_cast %get3A_28 : vector<1x16xf32> to vector<16xf32>
      %get3A_30 = arith.index_cast %scan3A_26 : i32 to index
      %get3A_31 = arith.constant 0 : index
      %get3A_32 = tpu.vector_load %arg9[%get3A_30, %get3A_31] {strides = array<i32>} : memref<64x768xf32, #tpu.memory_space<vmem>>, vector<1x16xf32>,
      %get3A_33 = vector.shape_cast %get3A_32 : vector<1x16xf32> to vector<16xf32>
      %add3A_34 = arith.addf %get3A_29, %get3A_33 : vector<16xf32>
      %swap3A = arith.index_cast %scan3A_26 : i32 to index
      %swap3A_35 = arith.constant 0 : index
      %swap3A_36 = tpu.vector_load %arg8[%swap3A, %swap3A_35] {strides = array<i32>} : memref<64x768xf32, #tpu.memory_space<vmem>>, vector<1x16xf32>,
      %swap3A_37 = vector.shape_cast %swap3A_36 : vector<1x16xf32> to vector<16xf32>
      %swap3A_38 = vector.shape_cast %add3A_34 : vector<16xf32> to vector<1x16xf32>
      tpu.vector_store %arg8[%swap3A, %swap3A_35], %swap3A_38 {strides = array<i32>} : memref<64x768xf32, #tpu.memory_space<vmem>>, vector<1x16xf32>,
      %get3A_39 = arith.index_cast %scan3A_26 : i32 to index
      %get3A_40 = arith.constant 16 : index
      %get3A_41 = tpu.vector_load %arg8[%get3A_39, %get3A_40] {strides = array<i32>} : memref<64x768xf32, #tpu.memory_space<vmem>>, vector<1x16xf32>,
      %get3A_42 = vector.shape_cast %get3A_41 : vector<1x16xf32> to vector<16xf32>
      %get3A_43 = arith.index_cast %scan3A_26 : i32 to index
      %get3A_44 = arith.constant 16 : index
      %get3A_45 = tpu.vector_load %arg9[%get3A_43, %get3A_44] {strides = array<i32>} : memref<64x768xf32, #tpu.memory_space<vmem>>, vector<1x16xf32>,
      %get3A_46 = vector.shape_cast %get3A_45 : vector<1x16xf32> to vector<16xf32>
      %add3A_47 = arith.addf %get3A_42, %get3A_46 : vector<16xf32>
      %swap3A_48 = arith.index_cast %scan3A_26 : i32 to index
      %swap3A_49 = arith.constant 16 : index
      %swap3A_50 = tpu.vector_load %arg8[%swap3A_48, %swap3A_49] {strides = array<i32>} : memref<64x768xf32, #tpu.memory_space<vmem>>, vector<1x16xf32>,
      %swap3A_51 = vector.shape_cast %swap3A_50 : vector<1x16xf32> to vector<16xf32>
      %swap3A_52 = vector.shape_cast %add3A_47 : vector<16xf32> to vector<1x16xf32>
      tpu.vector_store %arg8[%swap3A_48, %swap3A_49], %swap3A_52 {strides = array<i32>} : memref<64x768xf32, #tpu.memory_space<vmem>>, vector<1x16xf32>,
      %get3A_53 = arith.index_cast %scan3A_26 : i32 to index
      %get3A_54 = arith.constant 32 : index
      %get3A_55 = tpu.vector_load %arg8[%get3A_53, %get3A_54] {strides = array<i32>} : memref<64x768xf32, #tpu.memory_space<vmem>>, vector<1x16xf32>,
      %get3A_56 = vector.shape_cast %get3A_55 : vector<1x16xf32> to vector<16xf32>
      %get3A_57 = arith.index_cast %scan3A_26 : i32 to index
      %get3A_58 = arith.constant 32 : index
      %get3A_59 = tpu.vector_load %arg9[%get3A_57, %get3A_58] {strides = array<i32>} : memref<64x768xf32, #tpu.memory_space<vmem>>, vector<1x16xf32>,
      %get3A_60 = vector.shape_cast %get3A_59 : vector<1x16xf32> to vector<16xf32>
      %add3A_61 = arith.addf %get3A_56, %get3A_60 : vector<16xf32>
      %swap3A_62 = arith.index_cast %scan3A_26 : i32 to index
      %swap3A_63 = arith.constant 32 : index
      %swap3A_64 = tpu.vector_load %arg8[%swap3A_62, %swap3A_63] {strides = array<i32>} : memref<64x768xf32, #tpu.memory_space<vmem>>, vector<1x16xf32>,
      %swap3A_65 = vector.shape_cast %swap3A_64 : vector<1x16xf32> to vector<16xf32>
      %swap3A_66 = vector.shape_cast %add3A_61 : vector<16xf32> to vector<1x16xf32>
      tpu.vector_store %arg8[%swap3A_62, %swap3A_63], %swap3A_66 {strides = array<i32>} : memref<64x768xf32, #tpu.memory_space<vmem>>, vector<1x16xf32>,
      %get3A_67 = arith.index_cast %scan3A_26 : i32 to index
      %get3A_68 = arith.constant 48 : index
      %get3A_69 = tpu.vector_load %arg8[%get3A_67, %get3A_68] {strides = array<i32>} : memref<64x768xf32, #tpu.memory_space<vmem>>, vector<1x16xf32>,
      %get3A_70 = vector.shape_cast %get3A_69 : vector<1x16xf32> to vector<16xf32>
      %get3A_71 = arith.index_cast %scan3A_26 : i32 to index
      %get3A_72 = arith.constant 48 : index
      %get3A_73 = tpu.vector_load %arg9[%get3A_71, %get3A_72] {strides = array<i32>} : memref<64x768xf32, #tpu.memory_space<vmem>>, vector<1x16xf32>,
      %get3A_74 = vector.shape_cast %get3A_73 : vector<1x16xf32> to vector<16xf32>
      %add3A_75 = arith.addf %get3A_70, %get3A_74 : vector<16xf32>
      %swap3A_76 = arith.index_cast %scan3A_26 : i32 to index
      %swap3A_77 = arith.constant 48 : index
      %swap3A_78 = tpu.vector_load %arg8[%swap3A_76, %swap3A_77] {strides = array<i32>} : memref<64x768xf32, #tpu.memory_space<vmem>>, vector<1x16xf32>,
      %swap3A_79 = vector.shape_cast %swap3A_78 : vector<1x16xf32> to vector<16xf32>
      %swap3A_80 = vector.shape_cast %add3A_75 : vector<16xf32> to vector<1x16xf32>
      tpu.vector_store %arg8[%swap3A_76, %swap3A_77], %swap3A_80 {strides = array<i32>} : memref<64x768xf32, #tpu.memory_space<vmem>>, vector<1x16xf32>,
      %get3A_81 = arith.index_cast %scan3A_26 : i32 to index
      %get3A_82 = arith.constant 64 : index
      %get3A_83 = tpu.vector_load %arg8[%get3A_81, %get3A_82] {strides = array<i32>} : memref<64x768xf32, #tpu.memory_space<vmem>>, vector<1x16xf32>,
      %get3A_84 = vector.shape_cast %get3A_83 : vector<1x16xf32> to vector<16xf32>
      %get3A_85 = arith.index_cast %scan3A_26 : i32 to index
      %get3A_86 = arith.constant 64 : index
      %get3A_87 = tpu.vector_load %arg9[%get3A_85, %get3A_86] {strides = array<i32>} : memref<64x768xf32, #tpu.memory_space<vmem>>, vector<1x16xf32>,
      %get3A_88 = vector.shape_cast %get3A_87 : vector<1x16xf32> to vector<16xf32>
      %add3A_89 = arith.addf %get3A_84, %get3A_88 : vector<16xf32>
      %swap3A_90 = arith.index_cast %scan3A_26 : i32 to index
      %swap3A_91 = arith.constant 64 : index
      %swap3A_92 = tpu.vector_load %arg8[%swap3A_90, %swap3A_91] {strides = array<i32>} : memref<64x768xf32, #tpu.memory_space<vmem>>, vector<1x16xf32>,
      %swap3A_93 = vector.shape_cast %swap3A_92 : vector<1x16xf32> to vector<16xf32>
      %swap3A_94 = vector.shape_cast %add3A_89 : vector<16xf32> to vector<1x16xf32>
      tpu.vector_store %arg8[%swap3A_90, %swap3A_91], %swap3A_94 {strides = array<i32>} : memref<64x768xf32, #tpu.memory_space<vmem>>, vector<1x16xf32>,
      %get3A_95 = arith.index_cast %scan3A_26 : i32 to index
      %get3A_96 = arith.constant 80 : index
      %get3A_97 = tpu.vector_load %arg8[%get3A_95, %get3A_96] {strides = array<i32>} : memref<64x768xf32, #tpu.memory_space<vmem>>, vector<1x16xf32>,
      %get3A_98 = vector.shape_cast %get3A_97 : vector<1x16xf32> to vector<16xf32>
      %get3A_99 = arith.index_cast %scan3A_26 : i32 to index
      %get3A_100 = arith.constant 80 : index
      %get3A_101 = tpu.vector_load %arg9[%get3A_99, %get3A_100] {strides = array<i32>} : memref<64x768xf32, #tpu.memory_space<vmem>>, vector<1x16xf32>,
      %get3A_102 = vector.shape_cast %get3A_101 : vector<1x16xf32> to vector<16xf32>
      %add3A_103 = arith.addf %get3A_98, %get3A_102 : vector<16xf32>
      %swap3A_104 = arith.index_cast %scan3A_26 : i32 to index
      %swap3A_105 = arith.constant 80 : index
      %swap3A_106 = tpu.vector_load %arg8[%swap3A_104, %swap3A_105] {strides = array<i32>} : memref<64x768xf32, #tpu.memory_space<vmem>>, vector<1x16xf32>,
      %swap3A_107 = vector.shape_cast %swap3A_106 : vector<1x16xf32> to vector<16xf32>
      %swap3A_108 = vector.shape_cast %add3A_103 : vector<16xf32> to vector<1x16xf32>
      tpu.vector_store %arg8[%swap3A_104, %swap3A_105], %swap3A_108 {strides = array<i32>} : memref<64x768xf32, #tpu.memory_space<vmem>>, vector<1x16xf32>,
      %get3A_109 = arith.index_cast %scan3A_26 : i32 to index
      %get3A_110 = arith.constant 96 : index
      %get3A_111 = tpu.vector_load %arg8[%get3A_109, %get3A_110] {strides = array<i32>} : memref<64x768xf32, #tpu.memory_space<vmem>>, vector<1x16xf32>,
      %get3A_112 = vector.shape_cast %get3A_111 : vector<1x16xf32> to vector<16xf32>
      %get3A_113 = arith.index_cast %scan3A_26 : i32 to index
      %get3A_114 = arith.constant 96 : index
      %get3A_115 = tpu.vector_load %arg9[%get3A_113, %get3A_114] {strides = array<i32>} : memref<64x768xf32, #tpu.memory_space<vmem>>, vector<1x16xf32>,
      %get3A_116 = vector.shape_cast %get3A_115 : vector<1x16xf32> to vector<16xf32>
      %add3A_117 = arith.addf %get3A_112, %get3A_116 : vector<16xf32>
      %swap3A_118 = arith.index_cast %scan3A_26 : i32 to index
      %swap3A_119 = arith.constant 96 : index
      %swap3A_120 = tpu.vector_load %arg8[%swap3A_118, %swap3A_119] {strides = array<i32>} : memref<64x768xf32, #tpu.memory_space<vmem>>, vector<1x16xf32>,
      %swap3A_121 = vector.shape_cast %swap3A_120 : vector<1x16xf32> to vector<16xf32>
      %swap3A_122 = vector.shape_cast %add3A_117 : vector<16xf32> to vector<1x16xf32>
      tpu.vector_store %arg8[%swap3A_118, %swap3A_119], %swap3A_122 {strides = array<i32>} : memref<64x768xf32, #tpu.memory_space<vmem>>, vector<1x16xf32>,
      %get3A_123 = arith.index_cast %scan3A_26 : i32 to index
      %get3A_124 = arith.constant 112 : index
      %get3A_125 = tpu.vector_load %arg8[%get3A_123, %get3A_124] {strides = array<i32>} : memref<64x768xf32, #tpu.memory_space<vmem>>, vector<1x16xf32>,
      %get3A_126 = vector.shape_cast %get3A_125 : vector<1x16xf32> to vector<16xf32>
      %get3A_127 = arith.index_cast %scan3A_26 : i32 to index
      %get3A_128 = arith.constant 112 : index
      %get3A_129 = tpu.vector_load %arg9[%get3A_127, %get3A_128] {strides = array<i32>} : memref<64x768xf32, #tpu.memory_space<vmem>>, vector<1x16xf32>,
      %get3A_130 = vector.shape_cast %get3A_129 : vector<1x16xf32> to vector<16xf32>
      %add3A_131 = arith.addf %get3A_126, %get3A_130 : vector<16xf32>
      %swap3A_132 = arith.index_cast %scan3A_26 : i32 to index
      %swap3A_133 = arith.constant 112 : index
      %swap3A_134 = tpu.vector_load %arg8[%swap3A_132, %swap3A_133] {strides = array<i32>} : memref<64x768xf32, #tpu.memory_space<vmem>>, vector<1x16xf32>,
      %swap3A_135 = vector.shape_cast %swap3A_134 : vector<1x16xf32> to vector<16xf32>
      %swap3A_136 = vector.shape_cast %add3A_131 : vector<16xf32> to vector<1x16xf32>
      tpu.vector_store %arg8[%swap3A_132, %swap3A_133], %swap3A_136 {strides = array<i32>} : memref<64x768xf32, #tpu.memory_space<vmem>>, vector<1x16xf32>,
      %get3A_137 = arith.index_cast %scan3A_26 : i32 to index
      %get3A_138 = arith.constant 128 : index
      %get3A_139 = tpu.vector_load %arg8[%get3A_137, %get3A_138] {strides = array<i32>} : memref<64x768xf32, #tpu.memory_space<vmem>>, vector<1x16xf32>,
      %get3A_140 = vector.shape_cast %get3A_139 : vector<1x16xf32> to vector<16xf32>
      %get3A_141 = arith.index_cast %scan3A_26 : i32 to index
      %get3A_142 = arith.constant 128 : index
      %get3A_143 = tpu.vector_load %arg9[%get3A_141, %get3A_142] {strides = array<i32>} : memref<64x768xf32, #tpu.memory_space<vmem>>, vector<1x16xf32>,
      %get3A_144 = vector.shape_cast %get3A_143 : vector<1x16xf32> to vector<16xf32>
      %add3A_145 = arith.addf %get3A_140, %get3A_144 : vector<16xf32>
      %swap3A_146 = arith.index_cast %scan3A_26 : i32 to index
      %swap3A_147 = arith.constant 128 : index
      %swap3A_148 = tpu.vector_load %arg8[%swap3A_146, %swap3A_147] {strides = array<i32>} : memref<64x768xf32, #tpu.memory_space<vmem>>, vector<1x16xf32>,
      %swap3A_149 = vector.shape_cast %swap3A_148 : vector<1x16xf32> to vector<16xf32>
      %swap3A_150 = vector.shape_cast %add3A_145 : vector<16xf32> to vector<1x16xf32>
      tpu.vector_store %arg8[%swap3A_146, %swap3A_147], %swap3A_150 {strides = array<i32>} : memref<64x768xf32, #tpu.memory_space<vmem>>, vector<1x16xf32>,
      %get3A_151 = arith.index_cast %scan3A_26 : i32 to index
      %get3A_152 = arith.constant 144 : index
      %get3A_153 = tpu.vector_load %arg8[%get3A_151, %get3A_152] {strides = array<i32>} : memref<64x768xf32, #tpu.memory_space<vmem>>, vector<1x16xf32>,
      %get3A_154 = vector.shape_cast %get3A_153 : vector<1x16xf32> to vector<16xf32>
      %get3A_155 = arith.index_cast %scan3A_26 : i32 to index
      %get3A_156 = arith.constant 144 : index
      %get3A_157 = tpu.vector_load %arg9[%get3A_155, %get3A_156] {strides = array<i32>} : memref<64x768xf32, #tpu.memory_space<vmem>>, vector<1x16xf32>,
      %get3A_158 = vector.shape_cast %get3A_157 : vector<1x16xf32> to vector<16xf32>
      %add3A_159 = arith.addf %get3A_154, %get3A_158 : vector<16xf32>
      %swap3A_160 = arith.index_cast %scan3A_26 : i32 to index
      %swap3A_161 = arith.constant 144 : index
      %swap3A_162 = tpu.vector_load %arg8[%swap3A_160, %swap3A_161] {strides = array<i32>} : memref<64x768xf32, #tpu.memory_space<vmem>>, vector<1x16xf32>,
      %swap3A_163 = vector.shape_cast %swap3A_162 : vector<1x16xf32> to vector<16xf32>
      %swap3A_164 = vector.shape_cast %add3A_159 : vector<16xf32> to vector<1x16xf32>
      tpu.vector_store %arg8[%swap3A_160, %swap3A_161], %swap3A_164 {strides = array<i32>} : memref<64x768xf32, #tpu.memory_space<vmem>>, vector<1x16xf32>,
      %get3A_165 = arith.index_cast %scan3A_26 : i32 to index
      %get3A_166 = arith.constant 160 : index
      %get3A_167 = tpu.vector_load %arg8[%get3A_165, %get3A_166] {strides = array<i32>} : memref<64x768xf32, #tpu.memory_space<vmem>>, vector<1x16xf32>,
      %get3A_168 = vector.shape_cast %get3A_167 : vector<1x16xf32> to vector<16xf32>
      %get3A_169 = arith.index_cast %scan3A_26 : i32 to index
      %get3A_170 = arith.constant 160 : index
      %get3A_171 = tpu.vector_load %arg9[%get3A_169, %get3A_170] {strides = array<i32>} : memref<64x768xf32, #tpu.memory_space<vmem>>, vector<1x16xf32>,
      %get3A_172 = vector.shape_cast %get3A_171 : vector<1x16xf32> to vector<16xf32>
      %add3A_173 = arith.addf %get3A_168, %get3A_172 : vector<16xf32>
      %swap3A_174 = arith.index_cast %scan3A_26 : i32 to index
      %swap3A_175 = arith.constant 160 : index
      %swap3A_176 = tpu.vector_load %arg8[%swap3A_174, %swap3A_175] {strides = array<i32>} : memref<64x768xf32, #tpu.memory_space<vmem>>, vector<1x16xf32>,
      %swap3A_177 = vector.shape_cast %swap3A_176 : vector<1x16xf32> to vector<16xf32>
      %swap3A_178 = vector.shape_cast %add3A_173 : vector<16xf32> to vector<1x16xf32>
      tpu.vector_store %arg8[%swap3A_174, %swap3A_175], %swap3A_178 {strides = array<i32>} : memref<64x768xf32, #tpu.memory_space<vmem>>, vector<1x16xf32>,
      %get3A_179 = arith.index_cast %scan3A_26 : i32 to index
      %get3A_180 = arith.constant 176 : index
      %get3A_181 = tpu.vector_load %arg8[%get3A_179, %get3A_180] {strides = array<i32>} : memref<64x768xf32, #tpu.memory_space<vmem>>, vector<1x16xf32>,
      %get3A_182 = vector.shape_cast %get3A_181 : vector<1x16xf32> to vector<16xf32>
      %get3A_183 = arith.index_cast %scan3A_26 : i32 to index
      %get3A_184 = arith.constant 176 : index
      %get3A_185 = tpu.vector_load %arg9[%get3A_183, %get3A_184] {strides = array<i32>} : memref<64x768xf32, #tpu.memory_space<vmem>>, vector<1x16xf32>,
      %get3A_186 = vector.shape_cast %get3A_185 : vector<1x16xf32> to vector<16xf32>
      %add3A_187 = arith.addf %get3A_182, %get3A_186 : vector<16xf32>
      %swap3A_188 = arith.index_cast %scan3A_26 : i32 to index
      %swap3A_189 = arith.constant 176 : index
      %swap3A_190 = tpu.vector_load %arg8[%swap3A_188, %swap3A_189] {strides = array<i32>} : memref<64x768xf32, #tpu.memory_space<vmem>>, vector<1x16xf32>,
      %swap3A_191 = vector.shape_cast %swap3A_190 : vector<1x16xf32> to vector<16xf32>
      %swap3A_192 = vector.shape_cast %add3A_187 : vector<16xf32> to vector<1x16xf32>
      tpu.vector_store %arg8[%swap3A_188, %swap3A_189], %swap3A_192 {strides = array<i32>} : memref<64x768xf32, #tpu.memory_space<vmem>>, vector<1x16xf32>,
      %get3A_193 = arith.index_cast %scan3A_26 : i32 to index
      %get3A_194 = arith.constant 192 : index
      %get3A_195 = tpu.vector_load %arg8[%get3A_193, %get3A_194] {strides = array<i32>} : memref<64x768xf32, #tpu.memory_space<vmem>>, vector<1x16xf32>,
      %get3A_196 = vector.shape_cast %get3A_195 : vector<1x16xf32> to vector<16xf32>
      %get3A_197 = arith.index_cast %scan3A_26 : i32 to index
      %get3A_198 = arith.constant 192 : index
      %get3A_199 = tpu.vector_load %arg9[%get3A_197, %get3A_198] {strides = array<i32>} : memref<64x768xf32, #tpu.memory_space<vmem>>, vector<1x16xf32>,
      %get3A_200 = vector.shape_cast %get3A_199 : vector<1x16xf32> to vector<16xf32>
      %add3A_201 = arith.addf %get3A_196, %get3A_200 : vector<16xf32>
      %swap3A_202 = arith.index_cast %scan3A_26 : i32 to index
      %swap3A_203 = arith.constant 192 : index
      %swap3A_204 = tpu.vector_load %arg8[%swap3A_202, %swap3A_203] {strides = array<i32>} : memref<64x768xf32, #tpu.memory_space<vmem>>, vector<1x16xf32>,
      %swap3A_205 = vector.shape_cast %swap3A_204 : vector<1x16xf32> to vector<16xf32>
      %swap3A_206 = vector.shape_cast %add3A_201 : vector<16xf32> to vector<1x16xf32>
      tpu.vector_store %arg8[%swap3A_202, %swap3A_203], %swap3A_206 {strides = array<i32>} : memref<64x768xf32, #tpu.memory_space<vmem>>, vector<1x16xf32>,
      %get3A_207 = arith.index_cast %scan3A_26 : i32 to index
      %get3A_208 = arith.constant 208 : index
      %get3A_209 = tpu.vector_load %arg8[%get3A_207, %get3A_208] {strides = array<i32>} : memref<64x768xf32, #tpu.memory_space<vmem>>, vector<1x16xf32>,
      %get3A_210 = vector.shape_cast %get3A_209 : vector<1x16xf32> to vector<16xf32>
      %get3A_211 = arith.index_cast %scan3A_26 : i32 to index
      %get3A_212 = arith.constant 208 : index
      %get3A_213 = tpu.vector_load %arg9[%get3A_211, %get3A_212] {strides = array<i32>} : memref<64x768xf32, #tpu.memory_space<vmem>>, vector<1x16xf32>,
      %get3A_214 = vector.shape_cast %get3A_213 : vector<1x16xf32> to vector<16xf32>
      %add3A_215 = arith.addf %get3A_210, %get3A_214 : vector<16xf32>
      %swap3A_216 = arith.index_cast %scan3A_26 : i32 to index
      %swap3A_217 = arith.constant 208 : index
      %swap3A_218 = tpu.vector_load %arg8[%swap3A_216, %swap3A_217] {strides = array<i32>} : memref<64x768xf32, #tpu.memory_space<vmem>>, vector<1x16xf32>,
      %swap3A_219 = vector.shape_cast %swap3A_218 : vector<1x16xf32> to vector<16xf32>
      %swap3A_220 = vector.shape_cast %add3A_215 : vector<16xf32> to vector<1x16xf32>
      tpu.vector_store %arg8[%swap3A_216, %swap3A_217], %swap3A_220 {strides = array<i32>} : memref<64x768xf32, #tpu.memory_space<vmem>>, vector<1x16xf32>,
      %get3A_221 = arith.index_cast %scan3A_26 : i32 to index
      %get3A_222 = arith.constant 224 : index
      %get3A_223 = tpu.vector_load %arg8[%get3A_221, %get3A_222] {strides = array<i32>} : memref<64x768xf32, #tpu.memory_space<vmem>>, vector<1x16xf32>,
      %get3A_224 = vector.shape_cast %get3A_223 : vector<1x16xf32> to vector<16xf32>
      %get3A_225 = arith.index_cast %scan3A_26 : i32 to index
      %get3A_226 = arith.constant 224 : index
      %get3A_227 = tpu.vector_load %arg9[%get3A_225, %get3A_226] {strides = array<i32>} : memref<64x768xf32, #tpu.memory_space<vmem>>, vector<1x16xf32>,
      %get3A_228 = vector.shape_cast %get3A_227 : vector<1x16xf32> to vector<16xf32>
      %add3A_229 = arith.addf %get3A_224, %get3A_228 : vector<16xf32>
      %swap3A_230 = arith.index_cast %scan3A_26 : i32 to index
      %swap3A_231 = arith.constant 224 : index
      %swap3A_232 = tpu.vector_load %arg8[%swap3A_230, %swap3A_231] {strides = array<i32>} : memref<64x768xf32, #tpu.memory_space<vmem>>, vector<1x16xf32>,
      %swap3A_233 = vector.shape_cast %swap3A_232 : vector<1x16xf32> to vector<16xf32>
      %swap3A_234 = vector.shape_cast %add3A_229 : vector<16xf32> to vector<1x16xf32>
      tpu.vector_store %arg8[%swap3A_230, %swap3A_231], %swap3A_234 {strides = array<i32>} : memref<64x768xf32, #tpu.memory_space<vmem>>, vector<1x16xf32>,
      %get3A_235 = arith.index_cast %scan3A_26 : i32 to index
      %get3A_236 = arith.constant 240 : index
      %get3A_237 = tpu.vector_load %arg8[%get3A_235, %get3A_236] {strides = array<i32>} : memref<64x768xf32, #tpu.memory_space<vmem>>, vector<1x16xf32>,
      %get3A_238 = vector.shape_cast %get3A_237 : vector<1x16xf32> to vector<16xf32>
      %get3A_239 = arith.index_cast %scan3A_26 : i32 to index
      %get3A_240 = arith.constant 240 : index
      %get3A_241 = tpu.vector_load %arg9[%get3A_239, %get3A_240] {strides = array<i32>} : memref<64x768xf32, #tpu.memory_space<vmem>>, vector<1x16xf32>,
      %get3A_242 = vector.shape_cast %get3A_241 : vector<1x16xf32> to vector<16xf32>
      %add3A_243 = arith.addf %get3A_238, %get3A_242 : vector<16xf32>
      %swap3A_244 = arith.index_cast %scan3A_26 : i32 to index
      %swap3A_245 = arith.constant 240 : index
      %swap3A_246 = tpu.vector_load %arg8[%swap3A_244, %swap3A_245] {strides = array<i32>} : memref<64x768xf32, #tpu.memory_space<vmem>>, vector<1x16xf32>,
      %swap3A_247 = vector.shape_cast %swap3A_246 : vector<1x16xf32> to vector<16xf32>
      %swap3A_248 = vector.shape_cast %add3A_243 : vector<16xf32> to vector<1x16xf32>
      tpu.vector_store %arg8[%swap3A_244, %swap3A_245], %swap3A_248 {strides = array<i32>} : memref<64x768xf32, #tpu.memory_space<vmem>>, vector<1x16xf32>,
      %get3A_249 = arith.index_cast %scan3A_26 : i32 to index
      %get3A_250 = arith.constant 256 : index
      %get3A_251 = tpu.vector_load %arg8[%get3A_249, %get3A_250] {strides = array<i32>} : memref<64x768xf32, #tpu.memory_space<vmem>>, vector<1x16xf32>,
      %get3A_252 = vector.shape_cast %get3A_251 : vector<1x16xf32> to vector<16xf32>
      %get3A_253 = arith.index_cast %scan3A_26 : i32 to index
      %get3A_254 = arith.constant 256 : index
      %get3A_255 = tpu.vector_load %arg9[%get3A_253, %get3A_254] {strides = array<i32>} : memref<64x768xf32, #tpu.memory_space<vmem>>, vector<1x16xf32>,
      %get3A_256 = vector.shape_cast %get3A_255 : vector<1x16xf32> to vector<16xf32>
      %add3A_257 = arith.addf %get3A_252, %get3A_256 : vector<16xf32>
      %swap3A_258 = arith.index_cast %scan3A_26 : i32 to index
      %swap3A_259 = arith.constant 256 : index
      %swap3A_260 = tpu.vector_load %arg8[%swap3A_258, %swap3A_259] {strides = array<i32>} : memref<64x768xf32, #tpu.memory_space<vmem>>, vector<1x16xf32>,
      %swap3A_261 = vector.shape_cast %swap3A_260 : vector<1x16xf32> to vector<16xf32>
      %swap3A_262 = vector.shape_cast %add3A_257 : vector<16xf32> to vector<1x16xf32>
      tpu.vector_store %arg8[%swap3A_258, %swap3A_259], %swap3A_262 {strides = array<i32>} : memref<64x768xf32, #tpu.memory_space<vmem>>, vector<1x16xf32>,
      %get3A_263 = arith.index_cast %scan3A_26 : i32 to index
      %get3A_264 = arith.constant 272 : index
      %get3A_265 = tpu.vector_load %arg8[%get3A_263, %get3A_264] {strides = array<i32>} : memref<64x768xf32, #tpu.memory_space<vmem>>, vector<1x16xf32>,
      %get3A_266 = vector.shape_cast %get3A_265 : vector<1x16xf32> to vector<16xf32>
      %get3A_267 = arith.index_cast %scan3A_26 : i32 to index
      %get3A_268 = arith.constant 272 : index
      %get3A_269 = tpu.vector_load %arg9[%get3A_267, %get3A_268] {strides = array<i32>} : memref<64x768xf32, #tpu.memory_space<vmem>>, vector<1x16xf32>,
      %get3A_270 = vector.shape_cast %get3A_269 : vector<1x16xf32> to vector<16xf32>
      %add3A_271 = arith.addf %get3A_266, %get3A_270 : vector<16xf32>
      %swap3A_272 = arith.index_cast %scan3A_26 : i32 to index
      %swap3A_273 = arith.constant 272 : index
      %swap3A_274 = tpu.vector_load %arg8[%swap3A_272, %swap3A_273] {strides = array<i32>} : memref<64x768xf32, #tpu.memory_space<vmem>>, vector<1x16xf32>,
      %swap3A_275 = vector.shape_cast %swap3A_274 : vector<1x16xf32> to vector<16xf32>
      %swap3A_276 = vector.shape_cast %add3A_271 : vector<16xf32> to vector<1x16xf32>
      tpu.vector_store %arg8[%swap3A_272, %swap3A_273], %swap3A_276 {strides = array<i32>} : memref<64x768xf32, #tpu.memory_space<vmem>>, vector<1x16xf32>,
      %get3A_277 = arith.index_cast %scan3A_26 : i32 to index
      %get3A_278 = arith.constant 288 : index
      %get3A_279 = tpu.vector_load %arg8[%get3A_277, %get3A_278] {strides = array<i32>} : memref<64x768xf32, #tpu.memory_space<vmem>>, vector<1x16xf32>,
      %get3A_280 = vector.shape_cast %get3A_279 : vector<1x16xf32> to vector<16xf32>
      %get3A_281 = arith.index_cast %scan3A_26 : i32 to index
      %get3A_282 = arith.constant 288 : index
      %get3A_283 = tpu.vector_load %arg9[%get3A_281, %get3A_282] {strides = array<i32>} : memref<64x768xf32, #tpu.memory_space<vmem>>, vector<1x16xf32>,
      %get3A_284 = vector.shape_cast %get3A_283 : vector<1x16xf32> to vector<16xf32>
      %add3A_285 = arith.addf %get3A_280, %get3A_284 : vector<16xf32>
      %swap3A_286 = arith.index_cast %scan3A_26 : i32 to index
      %swap3A_287 = arith.constant 288 : index
      %swap3A_288 = tpu.vector_load %arg8[%swap3A_286, %swap3A_287] {strides = array<i32>} : memref<64x768xf32, #tpu.memory_space<vmem>>, vector<1x16xf32>,
      %swap3A_289 = vector.shape_cast %swap3A_288 : vector<1x16xf32> to vector<16xf32>
      %swap3A_290 = vector.shape_cast %add3A_285 : vector<16xf32> to vector<1x16xf32>
      tpu.vector_store %arg8[%swap3A_286, %swap3A_287], %swap3A_290 {strides = array<i32>} : memref<64x768xf32, #tpu.memory_space<vmem>>, vector<1x16xf32>,
      %get3A_291 = arith.index_cast %scan3A_26 : i32 to index
      %get3A_292 = arith.constant 304 : index
      %get3A_293 = tpu.vector_load %arg8[%get3A_291, %get3A_292] {strides = array<i32>} : memref<64x768xf32, #tpu.memory_space<vmem>>, vector<1x16xf32>,
      %get3A_294 = vector.shape_cast %get3A_293 : vector<1x16xf32> to vector<16xf32>
      %get3A_295 = arith.index_cast %scan3A_26 : i32 to index
      %get3A_296 = arith.constant 304 : index
      %get3A_297 = tpu.vector_load %arg9[%get3A_295, %get3A_296] {strides = array<i32>} : memref<64x768xf32, #tpu.memory_space<vmem>>, vector<1x16xf32>,
      %get3A_298 = vector.shape_cast %get3A_297 : vector<1x16xf32> to vector<16xf32>
      %add3A_299 = arith.addf %get3A_294, %get3A_298 : vector<16xf32>
      %swap3A_300 = arith.index_cast %scan3A_26 : i32 to index
      %swap3A_301 = arith.constant 304 : index
      %swap3A_302 = tpu.vector_load %arg8[%swap3A_300, %swap3A_301] {strides = array<i32>} : memref<64x768xf32, #tpu.memory_space<vmem>>, vector<1x16xf32>,
      %swap3A_303 = vector.shape_cast %swap3A_302 : vector<1x16xf32> to vector<16xf32>
      %swap3A_304 = vector.shape_cast %add3A_299 : vector<16xf32> to vector<1x16xf32>
      tpu.vector_store %arg8[%swap3A_300, %swap3A_301], %swap3A_304 {strides = array<i32>} : memref<64x768xf32, #tpu.memory_space<vmem>>, vector<1x16xf32>,
      %get3A_305 = arith.index_cast %scan3A_26 : i32 to index
      %get3A_306 = arith.constant 320 : index
      %get3A_307 = tpu.vector_load %arg8[%get3A_305, %get3A_306] {strides = array<i32>} : memref<64x768xf32, #tpu.memory_space<vmem>>, vector<1x16xf32>,
      %get3A_308 = vector.shape_cast %get3A_307 : vector<1x16xf32> to vector<16xf32>
      %get3A_309 = arith.index_cast %scan3A_26 : i32 to index
      %get3A_310 = arith.constant 320 : index
      %get3A_311 = tpu.vector_load %arg9[%get3A_309, %get3A_310] {strides = array<i32>} : memref<64x768xf32, #tpu.memory_space<vmem>>, vector<1x16xf32>,
      %get3A_312 = vector.shape_cast %get3A_311 : vector<1x16xf32> to vector<16xf32>
      %add3A_313 = arith.addf %get3A_308, %get3A_312 : vector<16xf32>
      %swap3A_314 = arith.index_cast %scan3A_26 : i32 to index
      %swap3A_315 = arith.constant 320 : index
      %swap3A_316 = tpu.vector_load %arg8[%swap3A_314, %swap3A_315] {strides = array<i32>} : memref<64x768xf32, #tpu.memory_space<vmem>>, vector<1x16xf32>,
      %swap3A_317 = vector.shape_cast %swap3A_316 : vector<1x16xf32> to vector<16xf32>
      %swap3A_318 = vector.shape_cast %add3A_313 : vector<16xf32> to vector<1x16xf32>
      tpu.vector_store %arg8[%swap3A_314, %swap3A_315], %swap3A_318 {strides = array<i32>} : memref<64x768xf32, #tpu.memory_space<vmem>>, vector<1x16xf32>,
      %get3A_319 = arith.index_cast %scan3A_26 : i32 to index
      %get3A_320 = arith.constant 336 : index
      %get3A_321 = tpu.vector_load %arg8[%get3A_319, %get3A_320] {strides = array<i32>} : memref<64x768xf32, #tpu.memory_space<vmem>>, vector<1x16xf32>,
      %get3A_322 = vector.shape_cast %get3A_321 : vector<1x16xf32> to vector<16xf32>
      %get3A_323 = arith.index_cast %scan3A_26 : i32 to index
      %get3A_324 = arith.constant 336 : index
      %get3A_325 = tpu.vector_load %arg9[%get3A_323, %get3A_324] {strides = array<i32>} : memref<64x768xf32, #tpu.memory_space<vmem>>, vector<1x16xf32>,
      %get3A_326 = vector.shape_cast %get3A_325 : vector<1x16xf32> to vector<16xf32>
      %add3A_327 = arith.addf %get3A_322, %get3A_326 : vector<16xf32>
      %swap3A_328 = arith.index_cast %scan3A_26 : i32 to index
      %swap3A_329 = arith.constant 336 : index
      %swap3A_330 = tpu.vector_load %arg8[%swap3A_328, %swap3A_329] {strides = array<i32>} : memref<64x768xf32, #tpu.memory_space<vmem>>, vector<1x16xf32>,
      %swap3A_331 = vector.shape_cast %swap3A_330 : vector<1x16xf32> to vector<16xf32>
      %swap3A_332 = vector.shape_cast %add3A_327 : vector<16xf32> to vector<1x16xf32>
      tpu.vector_store %arg8[%swap3A_328, %swap3A_329], %swap3A_332 {strides = array<i32>} : memref<64x768xf32, #tpu.memory_space<vmem>>, vector<1x16xf32>,
      %get3A_333 = arith.index_cast %scan3A_26 : i32 to index
      %get3A_334 = arith.constant 352 : index
      %get3A_335 = tpu.vector_load %arg8[%get3A_333, %get3A_334] {strides = array<i32>} : memref<64x768xf32, #tpu.memory_space<vmem>>, vector<1x16xf32>,
      %get3A_336 = vector.shape_cast %get3A_335 : vector<1x16xf32> to vector<16xf32>
      %get3A_337 = arith.index_cast %scan3A_26 : i32 to index
      %get3A_338 = arith.constant 352 : index
      %get3A_339 = tpu.vector_load %arg9[%get3A_337, %get3A_338] {strides = array<i32>} : memref<64x768xf32, #tpu.memory_space<vmem>>, vector<1x16xf32>,
      %get3A_340 = vector.shape_cast %get3A_339 : vector<1x16xf32> to vector<16xf32>
      %add3A_341 = arith.addf %get3A_336, %get3A_340 : vector<16xf32>
      %swap3A_342 = arith.index_cast %scan3A_26 : i32 to index
      %swap3A_343 = arith.constant 352 : index
      %swap3A_344 = tpu.vector_load %arg8[%swap3A_342, %swap3A_343] {strides = array<i32>} : memref<64x768xf32, #tpu.memory_space<vmem>>, vector<1x16xf32>,
      %swap3A_345 = vector.shape_cast %swap3A_344 : vector<1x16xf32> to vector<16xf32>
      %swap3A_346 = vector.shape_cast %add3A_341 : vector<16xf32> to vector<1x16xf32>
      tpu.vector_store %arg8[%swap3A_342, %swap3A_343], %swap3A_346 {strides = array<i32>} : memref<64x768xf32, #tpu.memory_space<vmem>>, vector<1x16xf32>,
      %get3A_347 = arith.index_cast %scan3A_26 : i32 to index
      %get3A_348 = arith.constant 368 : index
      %get3A_349 = tpu.vector_load %arg8[%get3A_347, %get3A_348] {strides = array<i32>} : memref<64x768xf32, #tpu.memory_space<vmem>>, vector<1x16xf32>,
      %get3A_350 = vector.shape_cast %get3A_349 : vector<1x16xf32> to vector<16xf32>
      %get3A_351 = arith.index_cast %scan3A_26 : i32 to index
      %get3A_352 = arith.constant 368 : index
      %get3A_353 = tpu.vector_load %arg9[%get3A_351, %get3A_352] {strides = array<i32>} : memref<64x768xf32, #tpu.memory_space<vmem>>, vector<1x16xf32>,
      %get3A_354 = vector.shape_cast %get3A_353 : vector<1x16xf32> to vector<16xf32>
      %add3A_355 = arith.addf %get3A_350, %get3A_354 : vector<16xf32>
      %swap3A_356 = arith.index_cast %scan3A_26 : i32 to index
      %swap3A_357 = arith.constant 368 : index
      %swap3A_358 = tpu.vector_load %arg8[%swap3A_356, %swap3A_357] {strides = array<i32>} : memref<64x768xf32, #tpu.memory_space<vmem>>, vector<1x16xf32>,
      %swap3A_359 = vector.shape_cast %swap3A_358 : vector<1x16xf32> to vector<16xf32>
      %swap3A_360 = vector.shape_cast %add3A_355 : vector<16xf32> to vector<1x16xf32>
      tpu.vector_store %arg8[%swap3A_356, %swap3A_357], %swap3A_360 {strides = array<i32>} : memref<64x768xf32, #tpu.memory_space<vmem>>, vector<1x16xf32>,
      %get3A_361 = arith.index_cast %scan3A_26 : i32 to index
      %get3A_362 = arith.constant 384 : index
      %get3A_363 = tpu.vector_load %arg8[%get3A_361, %get3A_362] {strides = array<i32>} : memref<64x768xf32, #tpu.memory_space<vmem>>, vector<1x16xf32>,
      %get3A_364 = vector.shape_cast %get3A_363 : vector<1x16xf32> to vector<16xf32>
      %get3A_365 = arith.index_cast %scan3A_26 : i32 to index
      %get3A_366 = arith.constant 384 : index
      %get3A_367 = tpu.vector_load %arg9[%get3A_365, %get3A_366] {strides = array<i32>} : memref<64x768xf32, #tpu.memory_space<vmem>>, vector<1x16xf32>,
      %get3A_368 = vector.shape_cast %get3A_367 : vector<1x16xf32> to vector<16xf32>
      %add3A_369 = arith.addf %get3A_364, %get3A_368 : vector<16xf32>
      %swap3A_370 = arith.index_cast %scan3A_26 : i32 to index
      %swap3A_371 = arith.constant 384 : index
      %swap3A_372 = tpu.vector_load %arg8[%swap3A_370, %swap3A_371] {strides = array<i32>} : memref<64x768xf32, #tpu.memory_space<vmem>>, vector<1x16xf32>,
      %swap3A_373 = vector.shape_cast %swap3A_372 : vector<1x16xf32> to vector<16xf32>
      %swap3A_374 = vector.shape_cast %add3A_369 : vector<16xf32> to vector<1x16xf32>
      tpu.vector_store %arg8[%swap3A_370, %swap3A_371], %swap3A_374 {strides = array<i32>} : memref<64x768xf32, #tpu.memory_space<vmem>>, vector<1x16xf32>,
      %get3A_375 = arith.index_cast %scan3A_26 : i32 to index
      %get3A_376 = arith.constant 400 : index
      %get3A_377 = tpu.vector_load %arg8[%get3A_375, %get3A_376] {strides = array<i32>} : memref<64x768xf32, #tpu.memory_space<vmem>>, vector<1x16xf32>,
      %get3A_378 = vector.shape_cast %get3A_377 : vector<1x16xf32> to vector<16xf32>
      %get3A_379 = arith.index_cast %scan3A_26 : i32 to index
      %get3A_380 = arith.constant 400 : index
      %get3A_381 = tpu.vector_load %arg9[%get3A_379, %get3A_380] {strides = array<i32>} : memref<64x768xf32, #tpu.memory_space<vmem>>, vector<1x16xf32>,
      %get3A_382 = vector.shape_cast %get3A_381 : vector<1x16xf32> to vector<16xf32>
      %add3A_383 = arith.addf %get3A_378, %get3A_382 : vector<16xf32>
      %swap3A_384 = arith.index_cast %scan3A_26 : i32 to index
      %swap3A_385 = arith.constant 400 : index
      %swap3A_386 = tpu.vector_load %arg8[%swap3A_384, %swap3A_385] {strides = array<i32>} : memref<64x768xf32, #tpu.memory_space<vmem>>, vector<1x16xf32>,
      %swap3A_387 = vector.shape_cast %swap3A_386 : vector<1x16xf32> to vector<16xf32>
      %swap3A_388 = vector.shape_cast %add3A_383 : vector<16xf32> to vector<1x16xf32>
      tpu.vector_store %arg8[%swap3A_384, %swap3A_385], %swap3A_388 {strides = array<i32>} : memref<64x768xf32, #tpu.memory_space<vmem>>, vector<1x16xf32>,
      %get3A_389 = arith.index_cast %scan3A_26 : i32 to index
      %get3A_390 = arith.constant 416 : index
      %get3A_391 = tpu.vector_load %arg8[%get3A_389, %get3A_390] {strides = array<i32>} : memref<64x768xf32, #tpu.memory_space<vmem>>, vector<1x16xf32>,
      %get3A_392 = vector.shape_cast %get3A_391 : vector<1x16xf32> to vector<16xf32>
      %get3A_393 = arith.index_cast %scan3A_26 : i32 to index
      %get3A_394 = arith.constant 416 : index
      %get3A_395 = tpu.vector_load %arg9[%get3A_393, %get3A_394] {strides = array<i32>} : memref<64x768xf32, #tpu.memory_space<vmem>>, vector<1x16xf32>,
      %get3A_396 = vector.shape_cast %get3A_395 : vector<1x16xf32> to vector<16xf32>
      %add3A_397 = arith.addf %get3A_392, %get3A_396 : vector<16xf32>
      %swap3A_398 = arith.index_cast %scan3A_26 : i32 to index
      %swap3A_399 = arith.constant 416 : index
      %swap3A_400 = tpu.vector_load %arg8[%swap3A_398, %swap3A_399] {strides = array<i32>} : memref<64x768xf32, #tpu.memory_space<vmem>>, vector<1x16xf32>,
      %swap3A_401 = vector.shape_cast %swap3A_400 : vector<1x16xf32> to vector<16xf32>
      %swap3A_402 = vector.shape_cast %add3A_397 : vector<16xf32> to vector<1x16xf32>
      tpu.vector_store %arg8[%swap3A_398, %swap3A_399], %swap3A_402 {strides = array<i32>} : memref<64x768xf32, #tpu.memory_space<vmem>>, vector<1x16xf32>,
      %get3A_403 = arith.index_cast %scan3A_26 : i32 to index
      %get3A_404 = arith.constant 432 : index
      %get3A_405 = tpu.vector_load %arg8[%get3A_403, %get3A_404] {strides = array<i32>} : memref<64x768xf32, #tpu.memory_space<vmem>>, vector<1x16xf32>,
      %get3A_406 = vector.shape_cast %get3A_405 : vector<1x16xf32> to vector<16xf32>
      %get3A_407 = arith.index_cast %scan3A_26 : i32 to index
      %get3A_408 = arith.constant 432 : index
      %get3A_409 = tpu.vector_load %arg9[%get3A_407, %get3A_408] {strides = array<i32>} : memref<64x768xf32, #tpu.memory_space<vmem>>, vector<1x16xf32>,
      %get3A_410 = vector.shape_cast %get3A_409 : vector<1x16xf32> to vector<16xf32>
      %add3A_411 = arith.addf %get3A_406, %get3A_410 : vector<16xf32>
      %swap3A_412 = arith.index_cast %scan3A_26 : i32 to index
      %swap3A_413 = arith.constant 432 : index
      %swap3A_414 = tpu.vector_load %arg8[%swap3A_412, %swap3A_413] {strides = array<i32>} : memref<64x768xf32, #tpu.memory_space<vmem>>, vector<1x16xf32>,
      %swap3A_415 = vector.shape_cast %swap3A_414 : vector<1x16xf32> to vector<16xf32>
      %swap3A_416 = vector.shape_cast %add3A_411 : vector<16xf32> to vector<1x16xf32>
      tpu.vector_store %arg8[%swap3A_412, %swap3A_413], %swap3A_416 {strides = array<i32>} : memref<64x768xf32, #tpu.memory_space<vmem>>, vector<1x16xf32>,
      %get3A_417 = arith.index_cast %scan3A_26 : i32 to index
      %get3A_418 = arith.constant 448 : index
      %get3A_419 = tpu.vector_load %arg8[%get3A_417, %get3A_418] {strides = array<i32>} : memref<64x768xf32, #tpu.memory_space<vmem>>, vector<1x16xf32>,
      %get3A_420 = vector.shape_cast %get3A_419 : vector<1x16xf32> to vector<16xf32>
      %get3A_421 = arith.index_cast %scan3A_26 : i32 to index
      %get3A_422 = arith.constant 448 : index
      %get3A_423 = tpu.vector_load %arg9[%get3A_421, %get3A_422] {strides = array<i32>} : memref<64x768xf32, #tpu.memory_space<vmem>>, vector<1x16xf32>,
      %get3A_424 = vector.shape_cast %get3A_423 : vector<1x16xf32> to vector<16xf32>
      %add3A_425 = arith.addf %get3A_420, %get3A_424 : vector<16xf32>
      %swap3A_426 = arith.index_cast %scan3A_26 : i32 to index
      %swap3A_427 = arith.constant 448 : index
      %swap3A_428 = tpu.vector_load %arg8[%swap3A_426, %swap3A_427] {strides = array<i32>} : memref<64x768xf32, #tpu.memory_space<vmem>>, vector<1x16xf32>,
      %swap3A_429 = vector.shape_cast %swap3A_428 : vector<1x16xf32> to vector<16xf32>
      %swap3A_430 = vector.shape_cast %add3A_425 : vector<16xf32> to vector<1x16xf32>
      tpu.vector_store %arg8[%swap3A_426, %swap3A_427], %swap3A_430 {strides = array<i32>} : memref<64x768xf32, #tpu.memory_space<vmem>>, vector<1x16xf32>,
      %get3A_431 = arith.index_cast %scan3A_26 : i32 to index
      %get3A_432 = arith.constant 464 : index
      %get3A_433 = tpu.vector_load %arg8[%get3A_431, %get3A_432] {strides = array<i32>} : memref<64x768xf32, #tpu.memory_space<vmem>>, vector<1x16xf32>,
      %get3A_434 = vector.shape_cast %get3A_433 : vector<1x16xf32> to vector<16xf32>
      %get3A_435 = arith.index_cast %scan3A_26 : i32 to index
      %get3A_436 = arith.constant 464 : index
      %get3A_437 = tpu.vector_load %arg9[%get3A_435, %get3A_436] {strides = array<i32>} : memref<64x768xf32, #tpu.memory_space<vmem>>, vector<1x16xf32>,
      %get3A_438 = vector.shape_cast %get3A_437 : vector<1x16xf32> to vector<16xf32>
      %add3A_439 = arith.addf %get3A_434, %get3A_438 : vector<16xf32>
      %swap3A_440 = arith.index_cast %scan3A_26 : i32 to index
      %swap3A_441 = arith.constant 464 : index
      %swap3A_442 = tpu.vector_load %arg8[%swap3A_440, %swap3A_441] {strides = array<i32>} : memref<64x768xf32, #tpu.memory_space<vmem>>, vector<1x16xf32>,
      %swap3A_443 = vector.shape_cast %swap3A_442 : vector<1x16xf32> to vector<16xf32>
      %swap3A_444 = vector.shape_cast %add3A_439 : vector<16xf32> to vector<1x16xf32>
      tpu.vector_store %arg8[%swap3A_440, %swap3A_441], %swap3A_444 {strides = array<i32>} : memref<64x768xf32, #tpu.memory_space<vmem>>, vector<1x16xf32>,
      %get3A_445 = arith.index_cast %scan3A_26 : i32 to index
      %get3A_446 = arith.constant 480 : index
      %get3A_447 = tpu.vector_load %arg8[%get3A_445, %get3A_446] {strides = array<i32>} : memref<64x768xf32, #tpu.memory_space<vmem>>, vector<1x16xf32>,
      %get3A_448 = vector.shape_cast %get3A_447 : vector<1x16xf32> to vector<16xf32>
      %get3A_449 = arith.index_cast %scan3A_26 : i32 to index
      %get3A_450 = arith.constant 480 : index
      %get3A_451 = tpu.vector_load %arg9[%get3A_449, %get3A_450] {strides = array<i32>} : memref<64x768xf32, #tpu.memory_space<vmem>>, vector<1x16xf32>,
      %get3A_452 = vector.shape_cast %get3A_451 : vector<1x16xf32> to vector<16xf32>
      %add3A_453 = arith.addf %get3A_448, %get3A_452 : vector<16xf32>
      %swap3A_454 = arith.index_cast %scan3A_26 : i32 to index
      %swap3A_455 = arith.constant 480 : index
      %swap3A_456 = tpu.vector_load %arg8[%swap3A_454, %swap3A_455] {strides = array<i32>} : memref<64x768xf32, #tpu.memory_space<vmem>>, vector<1x16xf32>,
      %swap3A_457 = vector.shape_cast %swap3A_456 : vector<1x16xf32> to vector<16xf32>
      %swap3A_458 = vector.shape_cast %add3A_453 : vector<16xf32> to vector<1x16xf32>
      tpu.vector_store %arg8[%swap3A_454, %swap3A_455], %swap3A_458 {strides = array<i32>} : memref<64x768xf32, #tpu.memory_space<vmem>>, vector<1x16xf32>,
      %get3A_459 = arith.index_cast %scan3A_26 : i32 to index
      %get3A_460 = arith.constant 496 : index
      %get3A_461 = tpu.vector_load %arg8[%get3A_459, %get3A_460] {strides = array<i32>} : memref<64x768xf32, #tpu.memory_space<vmem>>, vector<1x16xf32>,
      %get3A_462 = vector.shape_cast %get3A_461 : vector<1x16xf32> to vector<16xf32>
      %get3A_463 = arith.index_cast %scan3A_26 : i32 to index
      %get3A_464 = arith.constant 496 : index
      %get3A_465 = tpu.vector_load %arg9[%get3A_463, %get3A_464] {strides = array<i32>} : memref<64x768xf32, #tpu.memory_space<vmem>>, vector<1x16xf32>,
      %get3A_466 = vector.shape_cast %get3A_465 : vector<1x16xf32> to vector<16xf32>
      %add3A_467 = arith.addf %get3A_462, %get3A_466 : vector<16xf32>
      %swap3A_468 = arith.index_cast %scan3A_26 : i32 to index
      %swap3A_469 = arith.constant 496 : index
      %swap3A_470 = tpu.vector_load %arg8[%swap3A_468, %swap3A_469] {strides = array<i32>} : memref<64x768xf32, #tpu.memory_space<vmem>>, vector<1x16xf32>,
      %swap3A_471 = vector.shape_cast %swap3A_470 : vector<1x16xf32> to vector<16xf32>
      %swap3A_472 = vector.shape_cast %add3A_467 : vector<16xf32> to vector<1x16xf32>
      tpu.vector_store %arg8[%swap3A_468, %swap3A_469], %swap3A_472 {strides = array<i32>} : memref<64x768xf32, #tpu.memory_space<vmem>>, vector<1x16xf32>,
      %get3A_473 = arith.index_cast %scan3A_26 : i32 to index
      %get3A_474 = arith.constant 512 : index
      %get3A_475 = tpu.vector_load %arg8[%get3A_473, %get3A_474] {strides = array<i32>} : memref<64x768xf32, #tpu.memory_space<vmem>>, vector<1x16xf32>,
      %get3A_476 = vector.shape_cast %get3A_475 : vector<1x16xf32> to vector<16xf32>
      %get3A_477 = arith.index_cast %scan3A_26 : i32 to index
      %get3A_478 = arith.constant 512 : index
      %get3A_479 = tpu.vector_load %arg9[%get3A_477, %get3A_478] {strides = array<i32>} : memref<64x768xf32, #tpu.memory_space<vmem>>, vector<1x16xf32>,
      %get3A_480 = vector.shape_cast %get3A_479 : vector<1x16xf32> to vector<16xf32>
      %add3A_481 = arith.addf %get3A_476, %get3A_480 : vector<16xf32>
      %swap3A_482 = arith.index_cast %scan3A_26 : i32 to index
      %swap3A_483 = arith.constant 512 : index
      %swap3A_484 = tpu.vector_load %arg8[%swap3A_482, %swap3A_483] {strides = array<i32>} : memref<64x768xf32, #tpu.memory_space<vmem>>, vector<1x16xf32>,
      %swap3A_485 = vector.shape_cast %swap3A_484 : vector<1x16xf32> to vector<16xf32>
      %swap3A_486 = vector.shape_cast %add3A_481 : vector<16xf32> to vector<1x16xf32>
      tpu.vector_store %arg8[%swap3A_482, %swap3A_483], %swap3A_486 {strides = array<i32>} : memref<64x768xf32, #tpu.memory_space<vmem>>, vector<1x16xf32>,
      %get3A_487 = arith.index_cast %scan3A_26 : i32 to index
      %get3A_488 = arith.constant 528 : index
      %get3A_489 = tpu.vector_load %arg8[%get3A_487, %get3A_488] {strides = array<i32>} : memref<64x768xf32, #tpu.memory_space<vmem>>, vector<1x16xf32>,
      %get3A_490 = vector.shape_cast %get3A_489 : vector<1x16xf32> to vector<16xf32>
      %get3A_491 = arith.index_cast %scan3A_26 : i32 to index
      %get3A_492 = arith.constant 528 : index
      %get3A_493 = tpu.vector_load %arg9[%get3A_491, %get3A_492] {strides = array<i32>} : memref<64x768xf32, #tpu.memory_space<vmem>>, vector<1x16xf32>,
      %get3A_494 = vector.shape_cast %get3A_493 : vector<1x16xf32> to vector<16xf32>
      %add3A_495 = arith.addf %get3A_490, %get3A_494 : vector<16xf32>
      %swap3A_496 = arith.index_cast %scan3A_26 : i32 to index
      %swap3A_497 = arith.constant 528 : index
      %swap3A_498 = tpu.vector_load %arg8[%swap3A_496, %swap3A_497] {strides = array<i32>} : memref<64x768xf32, #tpu.memory_space<vmem>>, vector<1x16xf32>,
      %swap3A_499 = vector.shape_cast %swap3A_498 : vector<1x16xf32> to vector<16xf32>
      %swap3A_500 = vector.shape_cast %add3A_495 : vector<16xf32> to vector<1x16xf32>
      tpu.vector_store %arg8[%swap3A_496, %swap3A_497], %swap3A_500 {strides = array<i32>} : memref<64x768xf32, #tpu.memory_space<vmem>>, vector<1x16xf32>,
      %get3A_501 = arith.index_cast %scan3A_26 : i32 to index
      %get3A_502 = arith.constant 544 : index
      %get3A_503 = tpu.vector_load %arg8[%get3A_501, %get3A_502] {strides = array<i32>} : memref<64x768xf32, #tpu.memory_space<vmem>>, vector<1x16xf32>,
      %get3A_504 = vector.shape_cast %get3A_503 : vector<1x16xf32> to vector<16xf32>
      %get3A_505 = arith.index_cast %scan3A_26 : i32 to index
      %get3A_506 = arith.constant 544 : index
      %get3A_507 = tpu.vector_load %arg9[%get3A_505, %get3A_506] {strides = array<i32>} : memref<64x768xf32, #tpu.memory_space<vmem>>, vector<1x16xf32>,
      %get3A_508 = vector.shape_cast %get3A_507 : vector<1x16xf32> to vector<16xf32>
      %add3A_509 = arith.addf %get3A_504, %get3A_508 : vector<16xf32>
      %swap3A_510 = arith.index_cast %scan3A_26 : i32 to index
      %swap3A_511 = arith.constant 544 : index
      %swap3A_512 = tpu.vector_load %arg8[%swap3A_510, %swap3A_511] {strides = array<i32>} : memref<64x768xf32, #tpu.memory_space<vmem>>, vector<1x16xf32>,
      %swap3A_513 = vector.shape_cast %swap3A_512 : vector<1x16xf32> to vector<16xf32>
      %swap3A_514 = vector.shape_cast %add3A_509 : vector<16xf32> to vector<1x16xf32>
      tpu.vector_store %arg8[%swap3A_510, %swap3A_511], %swap3A_514 {strides = array<i32>} : memref<64x768xf32, #tpu.memory_space<vmem>>, vector<1x16xf32>,
      %get3A_515 = arith.index_cast %scan3A_26 : i32 to index
      %get3A_516 = arith.constant 560 : index
      %get3A_517 = tpu.vector_load %arg8[%get3A_515, %get3A_516] {strides = array<i32>} : memref<64x768xf32, #tpu.memory_space<vmem>>, vector<1x16xf32>,
      %get3A_518 = vector.shape_cast %get3A_517 : vector<1x16xf32> to vector<16xf32>
      %get3A_519 = arith.index_cast %scan3A_26 : i32 to index
      %get3A_520 = arith.constant 560 : index
      %get3A_521 = tpu.vector_load %arg9[%get3A_519, %get3A_520] {strides = array<i32>} : memref<64x768xf32, #tpu.memory_space<vmem>>, vector<1x16xf32>,
      %get3A_522 = vector.shape_cast %get3A_521 : vector<1x16xf32> to vector<16xf32>
      %add3A_523 = arith.addf %get3A_518, %get3A_522 : vector<16xf32>
      %swap3A_524 = arith.index_cast %scan3A_26 : i32 to index
      %swap3A_525 = arith.constant 560 : index
      %swap3A_526 = tpu.vector_load %arg8[%swap3A_524, %swap3A_525] {strides = array<i32>} : memref<64x768xf32, #tpu.memory_space<vmem>>, vector<1x16xf32>,
      %swap3A_527 = vector.shape_cast %swap3A_526 : vector<1x16xf32> to vector<16xf32>
      %swap3A_528 = vector.shape_cast %add3A_523 : vector<16xf32> to vector<1x16xf32>
      tpu.vector_store %arg8[%swap3A_524, %swap3A_525], %swap3A_528 {strides = array<i32>} : memref<64x768xf32, #tpu.memory_space<vmem>>, vector<1x16xf32>,
      %get3A_529 = arith.index_cast %scan3A_26 : i32 to index
      %get3A_530 = arith.constant 576 : index
      %get3A_531 = tpu.vector_load %arg8[%get3A_529, %get3A_530] {strides = array<i32>} : memref<64x768xf32, #tpu.memory_space<vmem>>, vector<1x16xf32>,
      %get3A_532 = vector.shape_cast %get3A_531 : vector<1x16xf32> to vector<16xf32>
      %get3A_533 = arith.index_cast %scan3A_26 : i32 to index
      %get3A_534 = arith.constant 576 : index
      %get3A_535 = tpu.vector_load %arg9[%get3A_533, %get3A_534] {strides = array<i32>} : memref<64x768xf32, #tpu.memory_space<vmem>>, vector<1x16xf32>,
      %get3A_536 = vector.shape_cast %get3A_535 : vector<1x16xf32> to vector<16xf32>
      %add3A_537 = arith.addf %get3A_532, %get3A_536 : vector<16xf32>
      %swap3A_538 = arith.index_cast %scan3A_26 : i32 to index
      %swap3A_539 = arith.constant 576 : index
      %swap3A_540 = tpu.vector_load %arg8[%swap3A_538, %swap3A_539] {strides = array<i32>} : memref<64x768xf32, #tpu.memory_space<vmem>>, vector<1x16xf32>,
      %swap3A_541 = vector.shape_cast %swap3A_540 : vector<1x16xf32> to vector<16xf32>
      %swap3A_542 = vector.shape_cast %add3A_537 : vector<16xf32> to vector<1x16xf32>
      tpu.vector_store %arg8[%swap3A_538, %swap3A_539], %swap3A_542 {strides = array<i32>} : memref<64x768xf32, #tpu.memory_space<vmem>>, vector<1x16xf32>,
      %get3A_543 = arith.index_cast %scan3A_26 : i32 to index
      %get3A_544 = arith.constant 592 : index
      %get3A_545 = tpu.vector_load %arg8[%get3A_543, %get3A_544] {strides = array<i32>} : memref<64x768xf32, #tpu.memory_space<vmem>>, vector<1x16xf32>,
      %get3A_546 = vector.shape_cast %get3A_545 : vector<1x16xf32> to vector<16xf32>
      %get3A_547 = arith.index_cast %scan3A_26 : i32 to index
      %get3A_548 = arith.constant 592 : index
      %get3A_549 = tpu.vector_load %arg9[%get3A_547, %get3A_548] {strides = array<i32>} : memref<64x768xf32, #tpu.memory_space<vmem>>, vector<1x16xf32>,
      %get3A_550 = vector.shape_cast %get3A_549 : vector<1x16xf32> to vector<16xf32>
      %add3A_551 = arith.addf %get3A_546, %get3A_550 : vector<16xf32>
      %swap3A_552 = arith.index_cast %scan3A_26 : i32 to index
      %swap3A_553 = arith.constant 592 : index
      %swap3A_554 = tpu.vector_load %arg8[%swap3A_552, %swap3A_553] {strides = array<i32>} : memref<64x768xf32, #tpu.memory_space<vmem>>, vector<1x16xf32>,
      %swap3A_555 = vector.shape_cast %swap3A_554 : vector<1x16xf32> to vector<16xf32>
      %swap3A_556 = vector.shape_cast %add3A_551 : vector<16xf32> to vector<1x16xf32>
      tpu.vector_store %arg8[%swap3A_552, %swap3A_553], %swap3A_556 {strides = array<i32>} : memref<64x768xf32, #tpu.memory_space<vmem>>, vector<1x16xf32>,
      %get3A_557 = arith.index_cast %scan3A_26 : i32 to index
      %get3A_558 = arith.constant 608 : index
      %get3A_559 = tpu.vector_load %arg8[%get3A_557, %get3A_558] {strides = array<i32>} : memref<64x768xf32, #tpu.memory_space<vmem>>, vector<1x16xf32>,
      %get3A_560 = vector.shape_cast %get3A_559 : vector<1x16xf32> to vector<16xf32>
      %get3A_561 = arith.index_cast %scan3A_26 : i32 to index
      %get3A_562 = arith.constant 608 : index
      %get3A_563 = tpu.vector_load %arg9[%get3A_561, %get3A_562] {strides = array<i32>} : memref<64x768xf32, #tpu.memory_space<vmem>>, vector<1x16xf32>,
      %get3A_564 = vector.shape_cast %get3A_563 : vector<1x16xf32> to vector<16xf32>
      %add3A_565 = arith.addf %get3A_560, %get3A_564 : vector<16xf32>
      %swap3A_566 = arith.index_cast %scan3A_26 : i32 to index
      %swap3A_567 = arith.constant 608 : index
      %swap3A_568 = tpu.vector_load %arg8[%swap3A_566, %swap3A_567] {strides = array<i32>} : memref<64x768xf32, #tpu.memory_space<vmem>>, vector<1x16xf32>,
      %swap3A_569 = vector.shape_cast %swap3A_568 : vector<1x16xf32> to vector<16xf32>
      %swap3A_570 = vector.shape_cast %add3A_565 : vector<16xf32> to vector<1x16xf32>
      tpu.vector_store %arg8[%swap3A_566, %swap3A_567], %swap3A_570 {strides = array<i32>} : memref<64x768xf32, #tpu.memory_space<vmem>>, vector<1x16xf32>,
      %get3A_571 = arith.index_cast %scan3A_26 : i32 to index
      %get3A_572 = arith.constant 624 : index
      %get3A_573 = tpu.vector_load %arg8[%get3A_571, %get3A_572] {strides = array<i32>} : memref<64x768xf32, #tpu.memory_space<vmem>>, vector<1x16xf32>,
      %get3A_574 = vector.shape_cast %get3A_573 : vector<1x16xf32> to vector<16xf32>
      %get3A_575 = arith.index_cast %scan3A_26 : i32 to index
      %get3A_576 = arith.constant 624 : index
      %get3A_577 = tpu.vector_load %arg9[%get3A_575, %get3A_576] {strides = array<i32>} : memref<64x768xf32, #tpu.memory_space<vmem>>, vector<1x16xf32>,
      %get3A_578 = vector.shape_cast %get3A_577 : vector<1x16xf32> to vector<16xf32>
      %add3A_579 = arith.addf %get3A_574, %get3A_578 : vector<16xf32>
      %swap3A_580 = arith.index_cast %scan3A_26 : i32 to index
      %swap3A_581 = arith.constant 624 : index
      %swap3A_582 = tpu.vector_load %arg8[%swap3A_580, %swap3A_581] {strides = array<i32>} : memref<64x768xf32, #tpu.memory_space<vmem>>, vector<1x16xf32>,
      %swap3A_583 = vector.shape_cast %swap3A_582 : vector<1x16xf32> to vector<16xf32>
      %swap3A_584 = vector.shape_cast %add3A_579 : vector<16xf32> to vector<1x16xf32>
      tpu.vector_store %arg8[%swap3A_580, %swap3A_581], %swap3A_584 {strides = array<i32>} : memref<64x768xf32, #tpu.memory_space<vmem>>, vector<1x16xf32>,
      %get3A_585 = arith.index_cast %scan3A_26 : i32 to index
      %get3A_586 = arith.constant 640 : index
      %get3A_587 = tpu.vector_load %arg8[%get3A_585, %get3A_586] {strides = array<i32>} : memref<64x768xf32, #tpu.memory_space<vmem>>, vector<1x16xf32>,
      %get3A_588 = vector.shape_cast %get3A_587 : vector<1x16xf32> to vector<16xf32>
      %get3A_589 = arith.index_cast %scan3A_26 : i32 to index
      %get3A_590 = arith.constant 640 : index
      %get3A_591 = tpu.vector_load %arg9[%get3A_589, %get3A_590] {strides = array<i32>} : memref<64x768xf32, #tpu.memory_space<vmem>>, vector<1x16xf32>,
      %get3A_592 = vector.shape_cast %get3A_591 : vector<1x16xf32> to vector<16xf32>
      %add3A_593 = arith.addf %get3A_588, %get3A_592 : vector<16xf32>
      %swap3A_594 = arith.index_cast %scan3A_26 : i32 to index
      %swap3A_595 = arith.constant 640 : index
      %swap3A_596 = tpu.vector_load %arg8[%swap3A_594, %swap3A_595] {strides = array<i32>} : memref<64x768xf32, #tpu.memory_space<vmem>>, vector<1x16xf32>,
      %swap3A_597 = vector.shape_cast %swap3A_596 : vector<1x16xf32> to vector<16xf32>
      %swap3A_598 = vector.shape_cast %add3A_593 : vector<16xf32> to vector<1x16xf32>
      tpu.vector_store %arg8[%swap3A_594, %swap3A_595], %swap3A_598 {strides = array<i32>} : memref<64x768xf32, #tpu.memory_space<vmem>>, vector<1x16xf32>,
      %get3A_599 = arith.index_cast %scan3A_26 : i32 to index
      %get3A_600 = arith.constant 656 : index
      %get3A_601 = tpu.vector_load %arg8[%get3A_599, %get3A_600] {strides = array<i32>} : memref<64x768xf32, #tpu.memory_space<vmem>>, vector<1x16xf32>,
      %get3A_602 = vector.shape_cast %get3A_601 : vector<1x16xf32> to vector<16xf32>
      %get3A_603 = arith.index_cast %scan3A_26 : i32 to index
      %get3A_604 = arith.constant 656 : index
      %get3A_605 = tpu.vector_load %arg9[%get3A_603, %get3A_604] {strides = array<i32>} : memref<64x768xf32, #tpu.memory_space<vmem>>, vector<1x16xf32>,
      %get3A_606 = vector.shape_cast %get3A_605 : vector<1x16xf32> to vector<16xf32>
      %add3A_607 = arith.addf %get3A_602, %get3A_606 : vector<16xf32>
      %swap3A_608 = arith.index_cast %scan3A_26 : i32 to index
      %swap3A_609 = arith.constant 656 : index
      %swap3A_610 = tpu.vector_load %arg8[%swap3A_608, %swap3A_609] {strides = array<i32>} : memref<64x768xf32, #tpu.memory_space<vmem>>, vector<1x16xf32>,
      %swap3A_611 = vector.shape_cast %swap3A_610 : vector<1x16xf32> to vector<16xf32>
      %swap3A_612 = vector.shape_cast %add3A_607 : vector<16xf32> to vector<1x16xf32>
      tpu.vector_store %arg8[%swap3A_608, %swap3A_609], %swap3A_612 {strides = array<i32>} : memref<64x768xf32, #tpu.memory_space<vmem>>, vector<1x16xf32>,
      %get3A_613 = arith.index_cast %scan3A_26 : i32 to index
      %get3A_614 = arith.constant 672 : index
      %get3A_615 = tpu.vector_load %arg8[%get3A_613, %get3A_614] {strides = array<i32>} : memref<64x768xf32, #tpu.memory_space<vmem>>, vector<1x16xf32>,
      %get3A_616 = vector.shape_cast %get3A_615 : vector<1x16xf32> to vector<16xf32>
      %get3A_617 = arith.index_cast %scan3A_26 : i32 to index
      %get3A_618 = arith.constant 672 : index
      %get3A_619 = tpu.vector_load %arg9[%get3A_617, %get3A_618] {strides = array<i32>} : memref<64x768xf32, #tpu.memory_space<vmem>>, vector<1x16xf32>,
      %get3A_620 = vector.shape_cast %get3A_619 : vector<1x16xf32> to vector<16xf32>
      %add3A_621 = arith.addf %get3A_616, %get3A_620 : vector<16xf32>
      %swap3A_622 = arith.index_cast %scan3A_26 : i32 to index
      %swap3A_623 = arith.constant 672 : index
      %swap3A_624 = tpu.vector_load %arg8[%swap3A_622, %swap3A_623] {strides = array<i32>} : memref<64x768xf32, #tpu.memory_space<vmem>>, vector<1x16xf32>,
      %swap3A_625 = vector.shape_cast %swap3A_624 : vector<1x16xf32> to vector<16xf32>
      %swap3A_626 = vector.shape_cast %add3A_621 : vector<16xf32> to vector<1x16xf32>
      tpu.vector_store %arg8[%swap3A_622, %swap3A_623], %swap3A_626 {strides = array<i32>} : memref<64x768xf32, #tpu.memory_space<vmem>>, vector<1x16xf32>,
      %get3A_627 = arith.index_cast %scan3A_26 : i32 to index
      %get3A_628 = arith.constant 688 : index
      %get3A_629 = tpu.vector_load %arg8[%get3A_627, %get3A_628] {strides = array<i32>} : memref<64x768xf32, #tpu.memory_space<vmem>>, vector<1x16xf32>,
      %get3A_630 = vector.shape_cast %get3A_629 : vector<1x16xf32> to vector<16xf32>
      %get3A_631 = arith.index_cast %scan3A_26 : i32 to index
      %get3A_632 = arith.constant 688 : index
      %get3A_633 = tpu.vector_load %arg9[%get3A_631, %get3A_632] {strides = array<i32>} : memref<64x768xf32, #tpu.memory_space<vmem>>, vector<1x16xf32>,
      %get3A_634 = vector.shape_cast %get3A_633 : vector<1x16xf32> to vector<16xf32>
      %add3A_635 = arith.addf %get3A_630, %get3A_634 : vector<16xf32>
      %swap3A_636 = arith.index_cast %scan3A_26 : i32 to index
      %swap3A_637 = arith.constant 688 : index
      %swap3A_638 = tpu.vector_load %arg8[%swap3A_636, %swap3A_637] {strides = array<i32>} : memref<64x768xf32, #tpu.memory_space<vmem>>, vector<1x16xf32>,
      %swap3A_639 = vector.shape_cast %swap3A_638 : vector<1x16xf32> to vector<16xf32>
      %swap3A_640 = vector.shape_cast %add3A_635 : vector<16xf32> to vector<1x16xf32>
      tpu.vector_store %arg8[%swap3A_636, %swap3A_637], %swap3A_640 {strides = array<i32>} : memref<64x768xf32, #tpu.memory_space<vmem>>, vector<1x16xf32>,
      %get3A_641 = arith.index_cast %scan3A_26 : i32 to index
      %get3A_642 = arith.constant 704 : index
      %get3A_643 = tpu.vector_load %arg8[%get3A_641, %get3A_642] {strides = array<i32>} : memref<64x768xf32, #tpu.memory_space<vmem>>, vector<1x16xf32>,
      %get3A_644 = vector.shape_cast %get3A_643 : vector<1x16xf32> to vector<16xf32>
      %get3A_645 = arith.index_cast %scan3A_26 : i32 to index
      %get3A_646 = arith.constant 704 : index
      %get3A_647 = tpu.vector_load %arg9[%get3A_645, %get3A_646] {strides = array<i32>} : memref<64x768xf32, #tpu.memory_space<vmem>>, vector<1x16xf32>,
      %get3A_648 = vector.shape_cast %get3A_647 : vector<1x16xf32> to vector<16xf32>
      %add3A_649 = arith.addf %get3A_644, %get3A_648 : vector<16xf32>
      %swap3A_650 = arith.index_cast %scan3A_26 : i32 to index
      %swap3A_651 = arith.constant 704 : index
      %swap3A_652 = tpu.vector_load %arg8[%swap3A_650, %swap3A_651] {strides = array<i32>} : memref<64x768xf32, #tpu.memory_space<vmem>>, vector<1x16xf32>,
      %swap3A_653 = vector.shape_cast %swap3A_652 : vector<1x16xf32> to vector<16xf32>
      %swap3A_654 = vector.shape_cast %add3A_649 : vector<16xf32> to vector<1x16xf32>
      tpu.vector_store %arg8[%swap3A_650, %swap3A_651], %swap3A_654 {strides = array<i32>} : memref<64x768xf32, #tpu.memory_space<vmem>>, vector<1x16xf32>,
      %get3A_655 = arith.index_cast %scan3A_26 : i32 to index
      %get3A_656 = arith.constant 720 : index
      %get3A_657 = tpu.vector_load %arg8[%get3A_655, %get3A_656] {strides = array<i32>} : memref<64x768xf32, #tpu.memory_space<vmem>>, vector<1x16xf32>,
      %get3A_658 = vector.shape_cast %get3A_657 : vector<1x16xf32> to vector<16xf32>
      %get3A_659 = arith.index_cast %scan3A_26 : i32 to index
      %get3A_660 = arith.constant 720 : index
      %get3A_661 = tpu.vector_load %arg9[%get3A_659, %get3A_660] {strides = array<i32>} : memref<64x768xf32, #tpu.memory_space<vmem>>, vector<1x16xf32>,
      %get3A_662 = vector.shape_cast %get3A_661 : vector<1x16xf32> to vector<16xf32>
      %add3A_663 = arith.addf %get3A_658, %get3A_662 : vector<16xf32>
      %swap3A_664 = arith.index_cast %scan3A_26 : i32 to index
      %swap3A_665 = arith.constant 720 : index
      %swap3A_666 = tpu.vector_load %arg8[%swap3A_664, %swap3A_665] {strides = array<i32>} : memref<64x768xf32, #tpu.memory_space<vmem>>, vector<1x16xf32>,
      %swap3A_667 = vector.shape_cast %swap3A_666 : vector<1x16xf32> to vector<16xf32>
      %swap3A_668 = vector.shape_cast %add3A_663 : vector<16xf32> to vector<1x16xf32>
      tpu.vector_store %arg8[%swap3A_664, %swap3A_665], %swap3A_668 {strides = array<i32>} : memref<64x768xf32, #tpu.memory_space<vmem>>, vector<1x16xf32>,
      %get3A_669 = arith.index_cast %scan3A_26 : i32 to index
      %get3A_670 = arith.constant 736 : index
      %get3A_671 = tpu.vector_load %arg8[%get3A_669, %get3A_670] {strides = array<i32>} : memref<64x768xf32, #tpu.memory_space<vmem>>, vector<1x16xf32>,
      %get3A_672 = vector.shape_cast %get3A_671 : vector<1x16xf32> to vector<16xf32>
      %get3A_673 = arith.index_cast %scan3A_26 : i32 to index
      %get3A_674 = arith.constant 736 : index
      %get3A_675 = tpu.vector_load %arg9[%get3A_673, %get3A_674] {strides = array<i32>} : memref<64x768xf32, #tpu.memory_space<vmem>>, vector<1x16xf32>,
      %get3A_676 = vector.shape_cast %get3A_675 : vector<1x16xf32> to vector<16xf32>
      %add3A_677 = arith.addf %get3A_672, %get3A_676 : vector<16xf32>
      %swap3A_678 = arith.index_cast %scan3A_26 : i32 to index
      %swap3A_679 = arith.constant 736 : index
      %swap3A_680 = tpu.vector_load %arg8[%swap3A_678, %swap3A_679] {strides = array<i32>} : memref<64x768xf32, #tpu.memory_space<vmem>>, vector<1x16xf32>,
      %swap3A_681 = vector.shape_cast %swap3A_680 : vector<1x16xf32> to vector<16xf32>
      %swap3A_682 = vector.shape_cast %add3A_677 : vector<16xf32> to vector<1x16xf32>
      tpu.vector_store %arg8[%swap3A_678, %swap3A_679], %swap3A_682 {strides = array<i32>} : memref<64x768xf32, #tpu.memory_space<vmem>>, vector<1x16xf32>,
      %get3A_683 = arith.index_cast %scan3A_26 : i32 to index
      %get3A_684 = arith.constant 752 : index
      %get3A_685 = tpu.vector_load %arg8[%get3A_683, %get3A_684] {strides = array<i32>} : memref<64x768xf32, #tpu.memory_space<vmem>>, vector<1x16xf32>,
      %get3A_686 = vector.shape_cast %get3A_685 : vector<1x16xf32> to vector<16xf32>
      %get3A_687 = arith.index_cast %scan3A_26 : i32 to index
      %get3A_688 = arith.constant 752 : index
      %get3A_689 = tpu.vector_load %arg9[%get3A_687, %get3A_688] {strides = array<i32>} : memref<64x768xf32, #tpu.memory_space<vmem>>, vector<1x16xf32>,
      %get3A_690 = vector.shape_cast %get3A_689 : vector<1x16xf32> to vector<16xf32>
      %add3A_691 = arith.addf %get3A_686, %get3A_690 : vector<16xf32>
      %swap3A_692 = arith.index_cast %scan3A_26 : i32 to index
      %swap3A_693 = arith.constant 752 : index
      %swap3A_694 = tpu.vector_load %arg8[%swap3A_692, %swap3A_693] {strides = array<i32>} : memref<64x768xf32, #tpu.memory_space<vmem>>, vector<1x16xf32>,
      %swap3A_695 = vector.shape_cast %swap3A_694 : vector<1x16xf32> to vector<16xf32>
      %swap3A_696 = vector.shape_cast %add3A_691 : vector<16xf32> to vector<1x16xf32>
      tpu.vector_store %arg8[%swap3A_692, %swap3A_693], %swap3A_696 {strides = array<i32>} : memref<64x768xf32, #tpu.memory_space<vmem>>, vector<1x16xf32>,
    }
    %scan3A_25 = arith.constant 64 : i32
    "tpu.region"() ({
      %run_scoped3A = tpu.sem_alloc : memref<!tpu.dma_semaphore, #tpu.memory_space<semaphore_mem>>
      %dma_start3A_26 = arith.constant 0 : i32
      %dma_start3A_27 = tpu.memref_slice %arg5[%mul3A_2, %dma_start3A_26] : memref<2048x768xf32, #tpu.memory_space<hbm>> -> memref<64x768xf32, #tpu.memory_space<hbm>>
      %dma_start3A_28 = arith.constant 0 : i32
      %dma_start3A_29 = tpu.memref_slice %arg5[%mul3A_2, %dma_start3A_28] : memref<2048x768xf32, #tpu.memory_space<hbm>> -> memref<64x768xf32, #tpu.memory_space<hbm>>
      tpu.enqueue_dma source(%arg8 : memref<64x768xf32, #tpu.memory_space<vmem>>) target(%dma_start3A_29 : memref<64x768xf32, #tpu.memory_space<hbm>>) target_semaphore(%run_scoped3A : memref<!tpu.dma_semaphore, #tpu.memory_space<semaphore_mem>>)
      %dma_wait3A_30 = arith.constant 0 : i32
      %dma_wait3A_31 = tpu.memref_slice %arg5[%mul3A_2, %dma_wait3A_30] : memref<2048x768xf32, #tpu.memory_space<hbm>> -> memref<64x768xf32, #tpu.memory_space<hbm>>
      %dma_wait3A_32 = arith.constant 0 : i32
      %dma_wait3A_33 = tpu.memref_slice %arg5[%mul3A_2, %dma_wait3A_32] : memref<2048x768xf32, #tpu.memory_space<hbm>> -> memref<64x768xf32, #tpu.memory_space<hbm>>
      tpu.wait_dma2 semaphore(%run_scoped3A : memref<!tpu.dma_semaphore, #tpu.memory_space<semaphore_mem>>) src(%arg8 : memref<64x768xf32, #tpu.memory_space<vmem>>) dst(%dma_wait3A_33 : memref<64x768xf32, #tpu.memory_space<hbm>>)
      tpu.yield
    }) : () -> ()
    return
  }
}

#map = affine_map<(d0, d1) -> (0, 0)>
#map1 = affine_map<(d0, d1) -> (0)>
module attributes {stable_mosaic.version = 14 : i64} {
  func.func @_dispatch_body(%arg0: i32, %arg1: i32, %arg2: memref<2048x768xf32, #tpu.memory_space<hbm>>, %arg3: memref<2048xi32, #tpu.memory_space<hbm>>, %arg4: memref<2048xi32, #tpu.memory_space<hbm>>, %arg5: memref<2048x128xf32, #tpu.memory_space<hbm>>, %arg6: memref<2048x128xf32, #tpu.memory_space<hbm>>, %arg7: memref<8192x768xf32, #tpu.memory_space<hbm>>, %arg8: memref<8192x128xf32, #tpu.memory_space<hbm>>, %arg9: memref<64xi32, #tpu.memory_space<vmem>>, %arg10: memref<64xi32, #tpu.memory_space<vmem>>, %arg11: memref<64x768xf32, #tpu.memory_space<vmem>>, %arg12: memref<64x128xf32, #tpu.memory_space<vmem>>, %arg13: memref<64x128xf32, #tpu.memory_space<vmem>>, %arg14: memref<!tpu.dma_semaphore, #tpu.memory_space<semaphore_mem>>) attributes {dimension_semantics = [#tpu.dimension_semantics<core_parallel>, #tpu.dimension_semantics<subcore_parallel>], iteration_bounds = array<i64: 2, 16>, scalar_prefetch = 0 : i64, scratch_operands = 6 : i64, tpu.core_type = #tpu.core_type<sc_vector_subcore>, window_params = [{transform_indices = #map}, {transform_indices = #map1}, {transform_indices = #map1}, {transform_indices = #map}, {transform_indices = #map}, {transform_indices = #map}, {transform_indices = #map}]} {
    %mul3A = arith.constant 16 : i32
    %mul3A_0 = arith.muli %arg0, %mul3A : i32
    %add3A = arith.addi %mul3A_0, %arg1 : i32
    %mul3A_1 = arith.constant 64 : i32
    %mul3A_2 = arith.muli %add3A, %mul3A_1 : i32
    %dma_start3A = tpu.memref_slice %arg3[%mul3A_2] : memref<2048xi32, #tpu.memory_space<hbm>> -> memref<64xi32, #tpu.memory_space<hbm>>
    %dma_start3A_3 = tpu.memref_slice %arg3[%mul3A_2] : memref<2048xi32, #tpu.memory_space<hbm>> -> memref<64xi32, #tpu.memory_space<hbm>>
    tpu.enqueue_dma source(%dma_start3A_3 : memref<64xi32, #tpu.memory_space<hbm>>) target(%arg9 : memref<64xi32, #tpu.memory_space<vmem>>) target_semaphore(%arg14 : memref<!tpu.dma_semaphore, #tpu.memory_space<semaphore_mem>>)
    %dma_start3A_4 = tpu.memref_slice %arg4[%mul3A_2] : memref<2048xi32, #tpu.memory_space<hbm>> -> memref<64xi32, #tpu.memory_space<hbm>>
    %dma_start3A_5 = tpu.memref_slice %arg4[%mul3A_2] : memref<2048xi32, #tpu.memory_space<hbm>> -> memref<64xi32, #tpu.memory_space<hbm>>
    tpu.enqueue_dma source(%dma_start3A_5 : memref<64xi32, #tpu.memory_space<hbm>>) target(%arg10 : memref<64xi32, #tpu.memory_space<vmem>>) target_semaphore(%arg14 : memref<!tpu.dma_semaphore, #tpu.memory_space<semaphore_mem>>)
    %dma_start3A_6 = arith.constant 0 : i32
    %dma_start3A_7 = tpu.memref_slice %arg2[%mul3A_2, %dma_start3A_6] : memref<2048x768xf32, #tpu.memory_space<hbm>> -> memref<64x768xf32, #tpu.memory_space<hbm>>
    %dma_start3A_8 = arith.constant 0 : i32
    %dma_start3A_9 = tpu.memref_slice %arg2[%mul3A_2, %dma_start3A_8] : memref<2048x768xf32, #tpu.memory_space<hbm>> -> memref<64x768xf32, #tpu.memory_space<hbm>>
    tpu.enqueue_dma source(%dma_start3A_9 : memref<64x768xf32, #tpu.memory_space<hbm>>) target(%arg11 : memref<64x768xf32, #tpu.memory_space<vmem>>) target_semaphore(%arg14 : memref<!tpu.dma_semaphore, #tpu.memory_space<semaphore_mem>>)
    %dma_start3A_10 = arith.constant 0 : i32
    %dma_start3A_11 = tpu.memref_slice %arg5[%mul3A_2, %dma_start3A_10] : memref<2048x128xf32, #tpu.memory_space<hbm>> -> memref<64x128xf32, #tpu.memory_space<hbm>>
    %dma_start3A_12 = arith.constant 0 : i32
    %dma_start3A_13 = tpu.memref_slice %arg5[%mul3A_2, %dma_start3A_12] : memref<2048x128xf32, #tpu.memory_space<hbm>> -> memref<64x128xf32, #tpu.memory_space<hbm>>
    tpu.enqueue_dma source(%dma_start3A_13 : memref<64x128xf32, #tpu.memory_space<hbm>>) target(%arg12 : memref<64x128xf32, #tpu.memory_space<vmem>>) target_semaphore(%arg14 : memref<!tpu.dma_semaphore, #tpu.memory_space<semaphore_mem>>)
    %dma_start3A_14 = arith.constant 0 : i32
    %dma_start3A_15 = tpu.memref_slice %arg6[%mul3A_2, %dma_start3A_14] : memref<2048x128xf32, #tpu.memory_space<hbm>> -> memref<64x128xf32, #tpu.memory_space<hbm>>
    %dma_start3A_16 = arith.constant 0 : i32
    %dma_start3A_17 = tpu.memref_slice %arg6[%mul3A_2, %dma_start3A_16] : memref<2048x128xf32, #tpu.memory_space<hbm>> -> memref<64x128xf32, #tpu.memory_space<hbm>>
    tpu.enqueue_dma source(%dma_start3A_17 : memref<64x128xf32, #tpu.memory_space<hbm>>) target(%arg13 : memref<64x128xf32, #tpu.memory_space<vmem>>) target_semaphore(%arg14 : memref<!tpu.dma_semaphore, #tpu.memory_space<semaphore_mem>>)
    %dma_wait3A = tpu.memref_slice %arg3[%mul3A_2] : memref<2048xi32, #tpu.memory_space<hbm>> -> memref<64xi32, #tpu.memory_space<hbm>>
    %dma_wait3A_18 = tpu.memref_slice %arg3[%mul3A_2] : memref<2048xi32, #tpu.memory_space<hbm>> -> memref<64xi32, #tpu.memory_space<hbm>>
    tpu.wait_dma2 semaphore(%arg14 : memref<!tpu.dma_semaphore, #tpu.memory_space<semaphore_mem>>) src(%dma_wait3A_18 : memref<64xi32, #tpu.memory_space<hbm>>) dst(%arg9 : memref<64xi32, #tpu.memory_space<vmem>>)
    %dma_wait3A_19 = tpu.memref_slice %arg4[%mul3A_2] : memref<2048xi32, #tpu.memory_space<hbm>> -> memref<64xi32, #tpu.memory_space<hbm>>
    %dma_wait3A_20 = tpu.memref_slice %arg4[%mul3A_2] : memref<2048xi32, #tpu.memory_space<hbm>> -> memref<64xi32, #tpu.memory_space<hbm>>
    tpu.wait_dma2 semaphore(%arg14 : memref<!tpu.dma_semaphore, #tpu.memory_space<semaphore_mem>>) src(%dma_wait3A_20 : memref<64xi32, #tpu.memory_space<hbm>>) dst(%arg10 : memref<64xi32, #tpu.memory_space<vmem>>)
    %dma_wait3A_21 = arith.constant 0 : i32
    %dma_wait3A_22 = tpu.memref_slice %arg2[%mul3A_2, %dma_wait3A_21] : memref<2048x768xf32, #tpu.memory_space<hbm>> -> memref<64x768xf32, #tpu.memory_space<hbm>>
    %dma_wait3A_23 = arith.constant 0 : i32
    %dma_wait3A_24 = tpu.memref_slice %arg2[%mul3A_2, %dma_wait3A_23] : memref<2048x768xf32, #tpu.memory_space<hbm>> -> memref<64x768xf32, #tpu.memory_space<hbm>>
    tpu.wait_dma2 semaphore(%arg14 : memref<!tpu.dma_semaphore, #tpu.memory_space<semaphore_mem>>) src(%dma_wait3A_24 : memref<64x768xf32, #tpu.memory_space<hbm>>) dst(%arg11 : memref<64x768xf32, #tpu.memory_space<vmem>>)
    %dma_wait3A_25 = arith.constant 0 : i32
    %dma_wait3A_26 = tpu.memref_slice %arg5[%mul3A_2, %dma_wait3A_25] : memref<2048x128xf32, #tpu.memory_space<hbm>> -> memref<64x128xf32, #tpu.memory_space<hbm>>
    %dma_wait3A_27 = arith.constant 0 : i32
    %dma_wait3A_28 = tpu.memref_slice %arg5[%mul3A_2, %dma_wait3A_27] : memref<2048x128xf32, #tpu.memory_space<hbm>> -> memref<64x128xf32, #tpu.memory_space<hbm>>
    tpu.wait_dma2 semaphore(%arg14 : memref<!tpu.dma_semaphore, #tpu.memory_space<semaphore_mem>>) src(%dma_wait3A_28 : memref<64x128xf32, #tpu.memory_space<hbm>>) dst(%arg12 : memref<64x128xf32, #tpu.memory_space<vmem>>)
    %dma_wait3A_29 = arith.constant 0 : i32
    %dma_wait3A_30 = tpu.memref_slice %arg6[%mul3A_2, %dma_wait3A_29] : memref<2048x128xf32, #tpu.memory_space<hbm>> -> memref<64x128xf32, #tpu.memory_space<hbm>>
    %dma_wait3A_31 = arith.constant 0 : i32
    %dma_wait3A_32 = tpu.memref_slice %arg6[%mul3A_2, %dma_wait3A_31] : memref<2048x128xf32, #tpu.memory_space<hbm>> -> memref<64x128xf32, #tpu.memory_space<hbm>>
    tpu.wait_dma2 semaphore(%arg14 : memref<!tpu.dma_semaphore, #tpu.memory_space<semaphore_mem>>) src(%dma_wait3A_32 : memref<64x128xf32, #tpu.memory_space<hbm>>) dst(%arg13 : memref<64x128xf32, #tpu.memory_space<vmem>>)
    %dma_start3A_33 = arith.constant 0 : i32
    %dma_start3A_34 = arith.constant 0 : i32
    %dma_start3A_35 = tpu.memref_slice %arg7[%dma_start3A_33, %dma_start3A_34] : memref<8192x768xf32, #tpu.memory_space<hbm>> -> memref<8192x768xf32, #tpu.memory_space<hbm>>
    tpu.enqueue_indirect_dma source(%arg11 : memref<64x768xf32, #tpu.memory_space<vmem>>) target(%dma_start3A_35 : memref<8192x768xf32, #tpu.memory_space<hbm>>) offsets(%arg9 : memref<64xi32, #tpu.memory_space<vmem>>) semaphore(%arg14 : memref<!tpu.dma_semaphore, #tpu.memory_space<semaphore_mem>>)
    %dma_start3A_36 = arith.constant 0 : i32
    %dma_start3A_37 = arith.constant 0 : i32
    %dma_start3A_38 = tpu.memref_slice %arg7[%dma_start3A_36, %dma_start3A_37] : memref<8192x768xf32, #tpu.memory_space<hbm>> -> memref<8192x768xf32, #tpu.memory_space<hbm>>
    tpu.enqueue_indirect_dma source(%arg11 : memref<64x768xf32, #tpu.memory_space<vmem>>) target(%dma_start3A_38 : memref<8192x768xf32, #tpu.memory_space<hbm>>) offsets(%arg10 : memref<64xi32, #tpu.memory_space<vmem>>) semaphore(%arg14 : memref<!tpu.dma_semaphore, #tpu.memory_space<semaphore_mem>>)
    %dma_start3A_39 = arith.constant 0 : i32
    %dma_start3A_40 = arith.constant 0 : i32
    %dma_start3A_41 = tpu.memref_slice %arg8[%dma_start3A_39, %dma_start3A_40] : memref<8192x128xf32, #tpu.memory_space<hbm>> -> memref<8192x128xf32, #tpu.memory_space<hbm>>
    tpu.enqueue_indirect_dma source(%arg12 : memref<64x128xf32, #tpu.memory_space<vmem>>) target(%dma_start3A_41 : memref<8192x128xf32, #tpu.memory_space<hbm>>) offsets(%arg9 : memref<64xi32, #tpu.memory_space<vmem>>) semaphore(%arg14 : memref<!tpu.dma_semaphore, #tpu.memory_space<semaphore_mem>>)
    %dma_start3A_42 = arith.constant 0 : i32
    %dma_start3A_43 = arith.constant 0 : i32
    %dma_start3A_44 = tpu.memref_slice %arg8[%dma_start3A_42, %dma_start3A_43] : memref<8192x128xf32, #tpu.memory_space<hbm>> -> memref<8192x128xf32, #tpu.memory_space<hbm>>
    tpu.enqueue_indirect_dma source(%arg13 : memref<64x128xf32, #tpu.memory_space<vmem>>) target(%dma_start3A_44 : memref<8192x128xf32, #tpu.memory_space<hbm>>) offsets(%arg10 : memref<64xi32, #tpu.memory_space<vmem>>) semaphore(%arg14 : memref<!tpu.dma_semaphore, #tpu.memory_space<semaphore_mem>>)
    %dma_wait3A_45 = arith.constant 0 : i32
    %dma_wait3A_46 = arith.constant 0 : i32
    %dma_wait3A_47 = tpu.memref_slice %arg7[%dma_wait3A_45, %dma_wait3A_46] : memref<8192x768xf32, #tpu.memory_space<hbm>> -> memref<8192x768xf32, #tpu.memory_space<hbm>>
    tpu.wait_indirect_dma semaphore(%arg14 : memref<!tpu.dma_semaphore, #tpu.memory_space<semaphore_mem>>) src(%arg11 : memref<64x768xf32, #tpu.memory_space<vmem>>) dst(%dma_wait3A_47 : memref<8192x768xf32, #tpu.memory_space<hbm>>)
    %dma_wait3A_48 = arith.constant 0 : i32
    %dma_wait3A_49 = arith.constant 0 : i32
    %dma_wait3A_50 = tpu.memref_slice %arg7[%dma_wait3A_48, %dma_wait3A_49] : memref<8192x768xf32, #tpu.memory_space<hbm>> -> memref<8192x768xf32, #tpu.memory_space<hbm>>
    tpu.wait_indirect_dma semaphore(%arg14 : memref<!tpu.dma_semaphore, #tpu.memory_space<semaphore_mem>>) src(%arg11 : memref<64x768xf32, #tpu.memory_space<vmem>>) dst(%dma_wait3A_50 : memref<8192x768xf32, #tpu.memory_space<hbm>>)
    %dma_wait3A_51 = arith.constant 0 : i32
    %dma_wait3A_52 = arith.constant 0 : i32
    %dma_wait3A_53 = tpu.memref_slice %arg8[%dma_wait3A_51, %dma_wait3A_52] : memref<8192x128xf32, #tpu.memory_space<hbm>> -> memref<8192x128xf32, #tpu.memory_space<hbm>>
    tpu.wait_indirect_dma semaphore(%arg14 : memref<!tpu.dma_semaphore, #tpu.memory_space<semaphore_mem>>) src(%arg12 : memref<64x128xf32, #tpu.memory_space<vmem>>) dst(%dma_wait3A_53 : memref<8192x128xf32, #tpu.memory_space<hbm>>)
    %dma_wait3A_54 = arith.constant 0 : i32
    %dma_wait3A_55 = arith.constant 0 : i32
    %dma_wait3A_56 = tpu.memref_slice %arg8[%dma_wait3A_54, %dma_wait3A_55] : memref<8192x128xf32, #tpu.memory_space<hbm>> -> memref<8192x128xf32, #tpu.memory_space<hbm>>
    tpu.wait_indirect_dma semaphore(%arg14 : memref<!tpu.dma_semaphore, #tpu.memory_space<semaphore_mem>>) src(%arg13 : memref<64x128xf32, #tpu.memory_space<vmem>>) dst(%dma_wait3A_56 : memref<8192x128xf32, #tpu.memory_space<hbm>>)
    return
  }
}

module attributes {stable_mosaic.version = 14 : i64} {
  func.func @_route_body(%arg0: i32, %arg1: memref<2048x768xf32, #tpu.memory_space<vmem>>, %arg2: memref<8x768xf32, #tpu.memory_space<vmem>>, %arg3: memref<1x8xf32, #tpu.memory_space<vmem>>, %arg4: memref<2048x128xf32, #tpu.memory_space<vmem>>, %arg5: memref<2048x128xf32, #tpu.memory_space<vmem>>, %arg6: memref<2048x1xi32, #tpu.memory_space<vmem>>, %arg7: memref<2048x1xi32, #tpu.memory_space<vmem>>, %arg8: memref<32x1xi32, #tpu.memory_space<vmem>>, %arg9: memref<1x1xi32, #tpu.memory_space<vmem>>) attributes {dimension_semantics = [#tpu.dimension_semantics<arbitrary>], iteration_bounds = array<i64: 1>, scalar_prefetch = 0 : i64, scratch_operands = 0 : i64, tpu.core_type = #tpu.core_type<tc>, window_params = [{pipeline_mode = #tpu.pipeline_mode<synchronous>, transform_indices = @transform_0, window_bounds = array<i64: 2048, 768>}, {pipeline_mode = #tpu.pipeline_mode<synchronous>, transform_indices = @transform_1, window_bounds = array<i64: 8, 768>}, {pipeline_mode = #tpu.pipeline_mode<synchronous>, transform_indices = @transform_2, window_bounds = array<i64: 1, 8>}, {pipeline_mode = #tpu.pipeline_mode<synchronous>, transform_indices = @transform_3, window_bounds = array<i64: 2048, 128>}, {pipeline_mode = #tpu.pipeline_mode<synchronous>, transform_indices = @transform_4, window_bounds = array<i64: 2048, 128>}, {pipeline_mode = #tpu.pipeline_mode<synchronous>, transform_indices = @transform_5, window_bounds = array<i64: 2048, 1>}, {pipeline_mode = #tpu.pipeline_mode<synchronous>, transform_indices = @transform_6, window_bounds = array<i64: 2048, 1>}, {pipeline_mode = #tpu.pipeline_mode<synchronous>, transform_indices = @transform_7, window_bounds = array<i64: 32, 1>}, {pipeline_mode = #tpu.pipeline_mode<synchronous>, transform_indices = @transform_8, window_bounds = array<i64: 1, 1>}]} {
    %get3A = arith.constant 0 : index
    %get3A_0 = arith.constant 0 : index
    %get3A_1 = vector.load %arg1[%get3A, %get3A_0] : memref<2048x768xf32, #tpu.memory_space<vmem>>, vector<2048x768xf32>
    %convert_element_type3A = arith.truncf %get3A_1 : vector<2048x768xf32> to vector<2048x768xbf16>
    %get3A_2 = arith.constant 0 : index
    %get3A_3 = arith.constant 0 : index
    %get3A_4 = vector.load %arg2[%get3A_2, %get3A_3] : memref<8x768xf32, #tpu.memory_space<vmem>>, vector<8x768xf32>
    %convert_element_type3A_5 = arith.truncf %get3A_4 : vector<8x768xf32> to vector<8x768xbf16>
    %dot_general3A = arith.constant dense<0.000000e+00> : vector<2048x8xf32>
    %dot_general3A_6 = tpu.matmul %convert_element_type3A, %convert_element_type3A_5, %dot_general3A {dimension_numbers = #tpu.dot_dimension_numbers<[1], [1], [0], [0], [0, 0, 1, 0], [], []>, transpose_lhs_hint = false} : vector<2048x768xbf16>, vector<8x768xbf16>, vector<2048x8xf32> -> vector<2048x8xf32>
    %get3A_7 = arith.constant 0 : index
    %get3A_8 = arith.constant 0 : index
    %get3A_9 = vector.load %arg3[%get3A_7, %get3A_8] : memref<1x8xf32, #tpu.memory_space<vmem>>, vector<1x8xf32>
    %add3A = vector.broadcast %get3A_9 : vector<1x8xf32> to vector<2048x8xf32>
    %add3A_10 = arith.addf %dot_general3A_6, %add3A : vector<2048x8xf32>
    %iota3A = tpu.iota {dimensions = array<i32: 1>} : vector<2048x8xi32>
    %reduce_max3A = arith.constant dense<0xFF800000> : vector<2048xf32>
    %reduce_max3A_11 = vector.multi_reduction <maximumf>, %add3A_10, %reduce_max3A [1] : vector<2048x8xf32> to vector<2048xf32>
    %broadcast_in_dim3A = vector.shape_cast %reduce_max3A_11 : vector<2048xf32> to vector<2048x1xf32>
    %ge3A = vector.broadcast %broadcast_in_dim3A : vector<2048x1xf32> to vector<2048x8xf32>
    %ge3A_12 = arith.cmpf oge, %add3A_10, %ge3A : vector<2048x8xf32>
    %jit3A = arith.constant 8 : i32
    %broadcast_in_dim3A_13 = vector.broadcast %jit3A : i32 to vector<2048x8xi32>
    %select_n3A = arith.select %ge3A_12, %iota3A, %broadcast_in_dim3A_13 : vector<2048x8xi1>, vector<2048x8xi32>
    %reduce_min3A = arith.constant dense<2147483647> : vector<2048xi32>
    %reduce_min3A_14 = vector.multi_reduction <minsi>, %select_n3A, %reduce_min3A [1] : vector<2048x8xi32> to vector<2048xi32>
    %broadcast_in_dim3A_15 = vector.shape_cast %reduce_min3A_14 : vector<2048xi32> to vector<2048x1xi32>
    %eq3A = vector.broadcast %broadcast_in_dim3A_15 : vector<2048x1xi32> to vector<2048x8xi32>
    %eq3A_16 = arith.cmpi eq, %iota3A, %eq3A : vector<2048x8xi32>
    %neg3A = arith.constant 0.000000e+00 : f32
    %neg3A_17 = arith.constant 1.000000e+30 : f32
    %neg3A_18 = arith.subf %neg3A, %neg3A_17 : f32
    %broadcast_in_dim3A_19 = vector.broadcast %neg3A_18 : f32 to vector<2048x8xf32>
    %select_n3A_20 = arith.select %eq3A_16, %broadcast_in_dim3A_19, %add3A_10 : vector<2048x8xi1>, vector<2048x8xf32>
    %reduce_max3A_21 = arith.constant dense<0xFF800000> : vector<2048xf32>
    %reduce_max3A_22 = vector.multi_reduction <maximumf>, %select_n3A_20, %reduce_max3A_21 [1] : vector<2048x8xf32> to vector<2048xf32>
    %broadcast_in_dim3A_23 = vector.shape_cast %reduce_max3A_22 : vector<2048xf32> to vector<2048x1xf32>
    %ge3A_24 = vector.broadcast %broadcast_in_dim3A_23 : vector<2048x1xf32> to vector<2048x8xf32>
    %ge3A_25 = arith.cmpf oge, %select_n3A_20, %ge3A_24 : vector<2048x8xf32>
    %jit3A_26 = arith.constant 8 : i32
    %broadcast_in_dim3A_27 = vector.broadcast %jit3A_26 : i32 to vector<2048x8xi32>
    %select_n3A_28 = arith.select %ge3A_25, %iota3A, %broadcast_in_dim3A_27 : vector<2048x8xi1>, vector<2048x8xi32>
    %reduce_min3A_29 = arith.constant dense<2147483647> : vector<2048xi32>
    %reduce_min3A_30 = vector.multi_reduction <minsi>, %select_n3A_28, %reduce_min3A_29 [1] : vector<2048x8xi32> to vector<2048xi32>
    %broadcast_in_dim3A_31 = vector.shape_cast %reduce_min3A_30 : vector<2048xi32> to vector<2048x1xi32>
    %eq3A_32 = vector.broadcast %broadcast_in_dim3A_31 : vector<2048x1xi32> to vector<2048x8xi32>
    %eq3A_33 = arith.cmpi eq, %iota3A, %eq3A_32 : vector<2048x8xi32>
    %or3A = arith.ori %eq3A_16, %eq3A_33 : vector<2048x8xi1>
    %neg3A_34 = arith.constant 0.000000e+00 : f32
    %neg3A_35 = arith.constant 1.000000e+30 : f32
    %neg3A_36 = arith.subf %neg3A_34, %neg3A_35 : f32
    %broadcast_in_dim3A_37 = vector.broadcast %neg3A_36 : f32 to vector<2048x8xf32>
    %select_n3A_38 = arith.select %or3A, %add3A_10, %broadcast_in_dim3A_37 : vector<2048x8xi1>, vector<2048x8xf32>
    %reduce_max3A_39 = arith.constant dense<0xFF800000> : vector<2048xf32>
    %reduce_max3A_40 = vector.multi_reduction <maximumf>, %select_n3A_38, %reduce_max3A_39 [1] : vector<2048x8xf32> to vector<2048xf32>
    %broadcast_in_dim3A_41 = vector.shape_cast %reduce_max3A_40 : vector<2048xf32> to vector<2048x1xf32>
    %sub3A = vector.broadcast %broadcast_in_dim3A_41 : vector<2048x1xf32> to vector<2048x8xf32>
    %sub3A_42 = arith.subf %select_n3A_38, %sub3A : vector<2048x8xf32>
    %exp3A = math.exp %sub3A_42 : vector<2048x8xf32>
    %reduce_sum3A = arith.constant dense<0.000000e+00> : vector<2048xf32>
    %reduce_sum3A_43 = vector.multi_reduction <add>, %exp3A, %reduce_sum3A [1] : vector<2048x8xf32> to vector<2048xf32>
    %broadcast_in_dim3A_44 = vector.shape_cast %reduce_sum3A_43 : vector<2048xf32> to vector<2048x1xf32>
    %div3A = vector.broadcast %broadcast_in_dim3A_44 : vector<2048x1xf32> to vector<2048x8xf32>
    %div3A_45 = arith.divf %exp3A, %div3A : vector<2048x8xf32>
    %jit3A_46 = arith.constant 0.000000e+00 : f32
    %broadcast_in_dim3A_47 = vector.broadcast %jit3A_46 : f32 to vector<2048x8xf32>
    %select_n3A_48 = arith.select %eq3A_16, %div3A_45, %broadcast_in_dim3A_47 : vector<2048x8xi1>, vector<2048x8xf32>
    %reduce_sum3A_49 = arith.constant dense<0.000000e+00> : vector<2048xf32>
    %reduce_sum3A_50 = vector.multi_reduction <add>, %select_n3A_48, %reduce_sum3A_49 [1] : vector<2048x8xf32> to vector<2048xf32>
    %broadcast_in_dim3A_51 = vector.shape_cast %reduce_sum3A_50 : vector<2048xf32> to vector<2048x1xf32>
    %jit3A_52 = arith.constant 0.000000e+00 : f32
    %broadcast_in_dim3A_53 = vector.broadcast %jit3A_52 : f32 to vector<2048x8xf32>
    %select_n3A_54 = arith.select %eq3A_33, %div3A_45, %broadcast_in_dim3A_53 : vector<2048x8xi1>, vector<2048x8xf32>
    %reduce_sum3A_55 = arith.constant dense<0.000000e+00> : vector<2048xf32>
    %reduce_sum3A_56 = vector.multi_reduction <add>, %select_n3A_54, %reduce_sum3A_55 [1] : vector<2048x8xf32> to vector<2048xf32>
    %broadcast_in_dim3A_57 = vector.shape_cast %reduce_sum3A_56 : vector<2048xf32> to vector<2048x1xf32>
    %broadcast_in_dim3A_58 = vector.shape_cast %broadcast_in_dim3A_51 : vector<2048x1xf32> to vector<2048x1xf32>
    %broadcast_in_dim3A_59 = vector.broadcast %broadcast_in_dim3A_58 : vector<2048x1xf32> to vector<2048x128xf32>
    %swap3A = arith.constant 0 : index
    %swap3A_60 = arith.constant 0 : index
    %swap3A_61 = vector.load %arg4[%swap3A, %swap3A_60] : memref<2048x128xf32, #tpu.memory_space<vmem>>, vector<2048x128xf32>
    tpu.vector_store %arg4[%swap3A, %swap3A_60], %broadcast_in_dim3A_59 {strides = array<i32>} : memref<2048x128xf32, #tpu.memory_space<vmem>>, vector<2048x128xf32>,
    %broadcast_in_dim3A_62 = vector.shape_cast %broadcast_in_dim3A_57 : vector<2048x1xf32> to vector<2048x1xf32>
    %broadcast_in_dim3A_63 = vector.broadcast %broadcast_in_dim3A_62 : vector<2048x1xf32> to vector<2048x128xf32>
    %swap3A_64 = arith.constant 0 : index
    %swap3A_65 = arith.constant 0 : index
    %swap3A_66 = vector.load %arg5[%swap3A_64, %swap3A_65] : memref<2048x128xf32, #tpu.memory_space<vmem>>, vector<2048x128xf32>
    tpu.vector_store %arg5[%swap3A_64, %swap3A_65], %broadcast_in_dim3A_63 {strides = array<i32>} : memref<2048x128xf32, #tpu.memory_space<vmem>>, vector<2048x128xf32>,
    %convert_element_type3A_67 = arith.extui %or3A : vector<2048x8xi1> to vector<2048x8xi32>
    %convert_element_type3A_68 = arith.sitofp %convert_element_type3A_67 : vector<2048x8xi32> to vector<2048x8xf32>
    %iota3A_69 = tpu.iota {dimensions = array<i32: 0>} : vector<2048x2048xi32>
    %iota3A_70 = tpu.iota {dimensions = array<i32: 1>} : vector<2048x2048xi32>
    %le3A = arith.cmpi sle, %iota3A_70, %iota3A_69 : vector<2048x2048xi32>
    %convert_element_type3A_71 = arith.extui %le3A : vector<2048x2048xi1> to vector<2048x2048xi32>
    %convert_element_type3A_72 = arith.sitofp %convert_element_type3A_71 : vector<2048x2048xi32> to vector<2048x2048xf32>
    %convert_element_type3A_73 = arith.truncf %convert_element_type3A_72 : vector<2048x2048xf32> to vector<2048x2048xbf16>
    %convert_element_type3A_74 = arith.truncf %convert_element_type3A_68 : vector<2048x8xf32> to vector<2048x8xbf16>
    %dot_general3A_75 = arith.constant dense<0.000000e+00> : vector<2048x8xf32>
    %dot_general3A_76 = tpu.matmul %convert_element_type3A_73, %convert_element_type3A_74, %dot_general3A_75 {dimension_numbers = #tpu.dot_dimension_numbers<[1], [0], [0], [1], [0, 0, 1, 1], [], []>, transpose_lhs_hint = false} : vector<2048x2048xbf16>, vector<2048x8xbf16>, vector<2048x8xf32> -> vector<2048x8xf32>
    %sub3A_77 = arith.subf %dot_general3A_76, %convert_element_type3A_68 : vector<2048x8xf32>
    %reduce_max3A_78 = arith.constant dense<0xFF800000> : vector<8xf32>
    %reduce_max3A_79 = vector.multi_reduction <maximumf>, %dot_general3A_76, %reduce_max3A_78 [0] : vector<2048x8xf32> to vector<8xf32>
    %broadcast_in_dim3A_80 = vector.shape_cast %reduce_max3A_79 : vector<8xf32> to vector<1x8xf32>
    %add3A_81 = arith.constant 5.110000e+02 : f32
    %add3A_82 = vector.broadcast %add3A_81 : f32 to vector<1x8xf32>
    %add3A_83 = arith.addf %broadcast_in_dim3A_80, %add3A_82 : vector<1x8xf32>
    %mul3A = arith.constant 0.001953125 : f32
    %mul3A_84 = vector.broadcast %mul3A : f32 to vector<1x8xf32>
    %mul3A_85 = arith.mulf %add3A_83, %mul3A_84 : vector<1x8xf32>
    %floor3A = math.floor %mul3A_85 : vector<1x8xf32>
    %iota3A_86 = tpu.iota {dimensions = array<i32: 0>} : vector<8x8xi32>
    %iota3A_87 = tpu.iota {dimensions = array<i32: 1>} : vector<8x8xi32>
    %lt3A = arith.cmpi slt, %iota3A_86, %iota3A_87 : vector<8x8xi32>
    %convert_element_type3A_88 = arith.extui %lt3A : vector<8x8xi1> to vector<8x8xi32>
    %convert_element_type3A_89 = arith.sitofp %convert_element_type3A_88 : vector<8x8xi32> to vector<8x8xf32>
    %convert_element_type3A_90 = arith.truncf %convert_element_type3A_89 : vector<8x8xf32> to vector<8x8xbf16>
    %convert_element_type3A_91 = arith.truncf %floor3A : vector<1x8xf32> to vector<1x8xbf16>
    %dot_general3A_92 = arith.constant dense<0.000000e+00> : vector<1x8xf32>
    %dot_general3A_93 = tpu.matmul %convert_element_type3A_91, %convert_element_type3A_90, %dot_general3A_92 {dimension_numbers = #tpu.dot_dimension_numbers<[1], [0], [0], [1], [0, 0, 1, 1], [], []>, transpose_lhs_hint = false} : vector<1x8xbf16>, vector<8x8xbf16>, vector<1x8xf32> -> vector<1x8xf32>
    %mul3A_94 = arith.constant 5.120000e+02 : f32
    %mul3A_95 = vector.broadcast %mul3A_94 : f32 to vector<1x8xf32>
    %mul3A_96 = arith.mulf %dot_general3A_93, %mul3A_95 : vector<1x8xf32>
    %add3A_97 = vector.broadcast %mul3A_96 : vector<1x8xf32> to vector<2048x8xf32>
    %add3A_98 = arith.addf %add3A_97, %sub3A_77 : vector<2048x8xf32>
    %jit3A_99 = arith.constant 0.000000e+00 : f32
    %broadcast_in_dim3A_100 = vector.broadcast %jit3A_99 : f32 to vector<2048x8xf32>
    %select_n3A_101 = arith.select %eq3A_16, %add3A_98, %broadcast_in_dim3A_100 : vector<2048x8xi1>, vector<2048x8xf32>
    %reduce_sum3A_102 = arith.constant dense<0.000000e+00> : vector<2048xf32>
    %reduce_sum3A_103 = vector.multi_reduction <add>, %select_n3A_101, %reduce_sum3A_102 [1] : vector<2048x8xf32> to vector<2048xf32>
    %broadcast_in_dim3A_104 = vector.shape_cast %reduce_sum3A_103 : vector<2048xf32> to vector<2048x1xf32>
    %convert_element_type3A_105 = arith.fptosi %broadcast_in_dim3A_104 : vector<2048x1xf32> to vector<2048x1xi32>
    %swap3A_106 = arith.constant 0 : index
    %swap3A_107 = arith.constant 0 : index
    %swap3A_108 = vector.load %arg6[%swap3A_106, %swap3A_107] : memref<2048x1xi32, #tpu.memory_space<vmem>>, vector<2048x1xi32>
    tpu.vector_store %arg6[%swap3A_106, %swap3A_107], %convert_element_type3A_105 {strides = array<i32>} : memref<2048x1xi32, #tpu.memory_space<vmem>>, vector<2048x1xi32>,
    %jit3A_109 = arith.constant 0.000000e+00 : f32
    %broadcast_in_dim3A_110 = vector.broadcast %jit3A_109 : f32 to vector<2048x8xf32>
    %select_n3A_111 = arith.select %eq3A_33, %add3A_98, %broadcast_in_dim3A_110 : vector<2048x8xi1>, vector<2048x8xf32>
    %reduce_sum3A_112 = arith.constant dense<0.000000e+00> : vector<2048xf32>
    %reduce_sum3A_113 = vector.multi_reduction <add>, %select_n3A_111, %reduce_sum3A_112 [1] : vector<2048x8xf32> to vector<2048xf32>
    %broadcast_in_dim3A_114 = vector.shape_cast %reduce_sum3A_113 : vector<2048xf32> to vector<2048x1xf32>
    %convert_element_type3A_115 = arith.fptosi %broadcast_in_dim3A_114 : vector<2048x1xf32> to vector<2048x1xi32>
    %swap3A_116 = arith.constant 0 : index
    %swap3A_117 = arith.constant 0 : index
    %swap3A_118 = vector.load %arg7[%swap3A_116, %swap3A_117] : memref<2048x1xi32, #tpu.memory_space<vmem>>, vector<2048x1xi32>
    tpu.vector_store %arg7[%swap3A_116, %swap3A_117], %convert_element_type3A_115 {strides = array<i32>} : memref<2048x1xi32, #tpu.memory_space<vmem>>, vector<2048x1xi32>,
    %add3A_119 = arith.addf %dot_general3A_93, %floor3A : vector<1x8xf32>
    %iota3A_120 = tpu.iota {dimensions = array<i32: 0>} : vector<32x8xi32>
    %convert_element_type3A_121 = arith.sitofp %iota3A_120 : vector<32x8xi32> to vector<32x8xf32>
    %ge3A_122 = vector.broadcast %add3A_119 : vector<1x8xf32> to vector<32x8xf32>
    %ge3A_123 = arith.cmpf oge, %convert_element_type3A_121, %ge3A_122 : vector<32x8xf32>
    %convert_element_type3A_124 = arith.extui %ge3A_123 : vector<32x8xi1> to vector<32x8xi32>
    %convert_element_type3A_125 = arith.sitofp %convert_element_type3A_124 : vector<32x8xi32> to vector<32x8xf32>
    %reduce_sum3A_126 = arith.constant dense<0.000000e+00> : vector<32xf32>
    %reduce_sum3A_127 = vector.multi_reduction <add>, %convert_element_type3A_125, %reduce_sum3A_126 [1] : vector<32x8xf32> to vector<32xf32>
    %broadcast_in_dim3A_128 = vector.shape_cast %reduce_sum3A_127 : vector<32xf32> to vector<32x1xf32>
    %min3A = arith.constant 7.000000e+00 : f32
    %min3A_129 = vector.broadcast %min3A : f32 to vector<32x1xf32>
    %min3A_130 = arith.minimumf %broadcast_in_dim3A_128, %min3A_129 : vector<32x1xf32>
    %convert_element_type3A_131 = arith.fptosi %min3A_130 : vector<32x1xf32> to vector<32x1xi32>
    %swap3A_132 = arith.constant 0 : index
    %swap3A_133 = arith.constant 0 : index
    %swap3A_134 = vector.load %arg8[%swap3A_132, %swap3A_133] : memref<32x1xi32, #tpu.memory_space<vmem>>, vector<32x1xi32>
    tpu.vector_store %arg8[%swap3A_132, %swap3A_133], %convert_element_type3A_131 {strides = array<i32>} : memref<32x1xi32, #tpu.memory_space<vmem>>, vector<32x1xi32>,
    %reduce_sum3A_135 = arith.constant dense<0.000000e+00> : vector<1xf32>
    %reduce_sum3A_136 = vector.multi_reduction <add>, %floor3A, %reduce_sum3A_135 [1] : vector<1x8xf32> to vector<1xf32>
    %broadcast_in_dim3A_137 = vector.shape_cast %reduce_sum3A_136 : vector<1xf32> to vector<1x1xf32>
    %convert_element_type3A_138 = arith.fptosi %broadcast_in_dim3A_137 : vector<1x1xf32> to vector<1x1xi32>
    %swap3A_139 = arith.constant 0 : index
    %swap3A_140 = arith.constant 0 : index
    %swap3A_141 = vector.load %arg9[%swap3A_139, %swap3A_140] : memref<1x1xi32, #tpu.memory_space<vmem>>, vector<1x1xi32>
    tpu.vector_store %arg9[%swap3A_139, %swap3A_140], %convert_element_type3A_138 {strides = array<i32>} : memref<1x1xi32, #tpu.memory_space<vmem>>, vector<1x1xi32>,
    return
  }
  func.func @transform_0(%arg0: i32) -> (i32, i32) {
    %c0_i32 = arith.constant 0 : i32
    %c0_i32_0 = arith.constant 0 : i32
    %c0_i32_1 = arith.constant 0 : i32
    return %c0_i32, %c0_i32_0 : i32, i32
  }
  func.func @transform_1(%arg0: i32) -> (i32, i32) {
    %c0_i32 = arith.constant 0 : i32
    %c0_i32_0 = arith.constant 0 : i32
    %c0_i32_1 = arith.constant 0 : i32
    return %c0_i32, %c0_i32_0 : i32, i32
  }
  func.func @transform_2(%arg0: i32) -> (i32, i32) {
    %c0_i32 = arith.constant 0 : i32
    %c0_i32_0 = arith.constant 0 : i32
    %c0_i32_1 = arith.constant 0 : i32
    return %c0_i32, %c0_i32_0 : i32, i32
  }
  func.func @transform_3(%arg0: i32) -> (i32, i32) {
    %c0_i32 = arith.constant 0 : i32
    %c0_i32_0 = arith.constant 0 : i32
    %c0_i32_1 = arith.constant 0 : i32
    return %c0_i32, %c0_i32_0 : i32, i32
  }
  func.func @transform_4(%arg0: i32) -> (i32, i32) {
    %c0_i32 = arith.constant 0 : i32
    %c0_i32_0 = arith.constant 0 : i32
    %c0_i32_1 = arith.constant 0 : i32
    return %c0_i32, %c0_i32_0 : i32, i32
  }
  func.func @transform_5(%arg0: i32) -> (i32, i32) {
    %c0_i32 = arith.constant 0 : i32
    %c0_i32_0 = arith.constant 0 : i32
    %c0_i32_1 = arith.constant 0 : i32
    return %c0_i32, %c0_i32_0 : i32, i32
  }
  func.func @transform_6(%arg0: i32) -> (i32, i32) {
    %c0_i32 = arith.constant 0 : i32
    %c0_i32_0 = arith.constant 0 : i32
    %c0_i32_1 = arith.constant 0 : i32
    return %c0_i32, %c0_i32_0 : i32, i32
  }
  func.func @transform_7(%arg0: i32) -> (i32, i32) {
    %c0_i32 = arith.constant 0 : i32
    %c0_i32_0 = arith.constant 0 : i32
    %c0_i32_1 = arith.constant 0 : i32
    return %c0_i32, %c0_i32_0 : i32, i32
  }
  func.func @transform_8(%arg0: i32) -> (i32, i32) {
    %c0_i32 = arith.constant 0 : i32
    %c0_i32_0 = arith.constant 0 : i32
    %c0_i32_1 = arith.constant 0 : i32
    return %c0_i32, %c0_i32_0 : i32, i32
  }
}

module attributes {stable_mosaic.version = 14 : i64} {
  func.func @_ffn_body(%arg0: i32, %arg1: memref<32xi32, #tpu.memory_space<smem>>, %arg2: memref<1xi32, #tpu.memory_space<smem>>, %arg3: memref<512x768xf32, #tpu.memory_space<vmem>>, %arg4: memref<1x3072x768xbf16, #tpu.memory_space<vmem>>, %arg5: memref<1x1x3072xf32, #tpu.memory_space<vmem>>, %arg6: memref<1x768x3072xbf16, #tpu.memory_space<vmem>>, %arg7: memref<1x1x768xf32, #tpu.memory_space<vmem>>, %arg8: memref<512x128xf32, #tpu.memory_space<vmem>>, %arg9: memref<512x768xf32, #tpu.memory_space<vmem>>) attributes {dimension_semantics = [#tpu.dimension_semantics<arbitrary>], iteration_bounds = array<i64: 16>, scalar_prefetch = 2 : i64, scratch_operands = 0 : i64, tpu.core_type = #tpu.core_type<tc>, window_params = [{transform_indices = @transform_0, window_bounds = array<i64: 512, 768>}, {transform_indices = @transform_1, window_bounds = array<i64: 1, 3072, 768>}, {transform_indices = @transform_2, window_bounds = array<i64: 1, 1, 3072>}, {transform_indices = @transform_3, window_bounds = array<i64: 1, 768, 3072>}, {transform_indices = @transform_4, window_bounds = array<i64: 1, 1, 768>}, {transform_indices = @transform_5, window_bounds = array<i64: 512, 128>}, {transform_indices = @transform_6, window_bounds = array<i64: 512, 768>}]} {
    %get3A = arith.constant 0 : index
    %get3A_0 = memref.load %arg2[%get3A] : memref<1xi32, #tpu.memory_space<smem>>
    %lt3A = arith.cmpi slt, %arg0, %get3A_0 : i32
    %convert_element_type3A = arith.extui %lt3A : i1 to i32
    %cond3A = arith.constant 0 : i32
    %cond3A_1 = arith.cmpi ne, %convert_element_type3A, %cond3A : i32
    scf.if %cond3A_1 {
      %get3A_2 = arith.constant 0 : index
      %get3A_3 = arith.constant 0 : index
      %get3A_4 = vector.load %arg3[%get3A_2, %get3A_3] : memref<512x768xf32, #tpu.memory_space<vmem>>, vector<512x768xf32>
      %convert_element_type3A_5 = arith.truncf %get3A_4 : vector<512x768xf32> to vector<512x768xbf16>
      %get3A_6 = arith.constant 0 : index
      %get3A_7 = arith.constant 0 : index
      %get3A_8 = arith.constant 0 : index
      %get3A_9 = vector.load %arg4[%get3A_6, %get3A_7, %get3A_8] : memref<1x3072x768xbf16, #tpu.memory_space<vmem>>, vector<1x3072x768xbf16>
      %get3A_10 = vector.shape_cast %get3A_9 : vector<1x3072x768xbf16> to vector<3072x768xbf16>
      %dot_general3A = arith.constant dense<0.000000e+00> : vector<512x3072xf32>
      %dot_general3A_11 = tpu.matmul %convert_element_type3A_5, %get3A_10, %dot_general3A {dimension_numbers = #tpu.dot_dimension_numbers<[1], [1], [0], [0], [0, 0, 1, 0], [], []>, transpose_lhs_hint = false} : vector<512x768xbf16>, vector<3072x768xbf16>, vector<512x3072xf32> -> vector<512x3072xf32>
      %get3A_12 = arith.constant 0 : index
      %get3A_13 = arith.constant 0 : index
      %get3A_14 = arith.constant 0 : index
      %get3A_15 = vector.load %arg5[%get3A_12, %get3A_13, %get3A_14] : memref<1x1x3072xf32, #tpu.memory_space<vmem>>, vector<1x1x3072xf32>
      %get3A_16 = vector.shape_cast %get3A_15 : vector<1x1x3072xf32> to vector<1x3072xf32>
      %add3A = vector.broadcast %get3A_16 : vector<1x3072xf32> to vector<512x3072xf32>
      %add3A_17 = arith.addf %dot_general3A_11, %add3A : vector<512x3072xf32>
      %mul3A = arith.constant 5.000000e-01 : f32
      %mul3A_18 = vector.broadcast %mul3A : f32 to vector<512x3072xf32>
      %mul3A_19 = arith.mulf %mul3A_18, %add3A_17 : vector<512x3072xf32>
      %mul3A_20 = arith.constant 0.707106769 : f32
      %mul3A_21 = vector.broadcast %mul3A_20 : f32 to vector<512x3072xf32>
      %mul3A_22 = arith.mulf %add3A_17, %mul3A_21 : vector<512x3072xf32>
      %erf3A = math.erf %mul3A_22 : vector<512x3072xf32>
      %add3A_23 = arith.constant 1.000000e+00 : f32
      %add3A_24 = vector.broadcast %add3A_23 : f32 to vector<512x3072xf32>
      %add3A_25 = arith.addf %add3A_24, %erf3A : vector<512x3072xf32>
      %mul3A_26 = arith.mulf %mul3A_19, %add3A_25 : vector<512x3072xf32>
      %convert_element_type3A_27 = arith.truncf %mul3A_26 : vector<512x3072xf32> to vector<512x3072xbf16>
      %get3A_28 = arith.constant 0 : index
      %get3A_29 = arith.constant 0 : index
      %get3A_30 = arith.constant 0 : index
      %get3A_31 = vector.load %arg6[%get3A_28, %get3A_29, %get3A_30] : memref<1x768x3072xbf16, #tpu.memory_space<vmem>>, vector<1x768x3072xbf16>
      %get3A_32 = vector.shape_cast %get3A_31 : vector<1x768x3072xbf16> to vector<768x3072xbf16>
      %dot_general3A_33 = arith.constant dense<0.000000e+00> : vector<512x768xf32>
      %dot_general3A_34 = tpu.matmul %convert_element_type3A_27, %get3A_32, %dot_general3A_33 {dimension_numbers = #tpu.dot_dimension_numbers<[1], [1], [0], [0], [0, 0, 1, 0], [], []>, transpose_lhs_hint = false} : vector<512x3072xbf16>, vector<768x3072xbf16>, vector<512x768xf32> -> vector<512x768xf32>
      %get3A_35 = arith.constant 0 : index
      %get3A_36 = arith.constant 0 : index
      %get3A_37 = arith.constant 0 : index
      %get3A_38 = vector.load %arg7[%get3A_35, %get3A_36, %get3A_37] : memref<1x1x768xf32, #tpu.memory_space<vmem>>, vector<1x1x768xf32>
      %get3A_39 = vector.shape_cast %get3A_38 : vector<1x1x768xf32> to vector<1x768xf32>
      %add3A_40 = vector.broadcast %get3A_39 : vector<1x768xf32> to vector<512x768xf32>
      %add3A_41 = arith.addf %dot_general3A_34, %add3A_40 : vector<512x768xf32>
      %get3A_42 = arith.constant 0 : index
      %get3A_43 = arith.constant 0 : index
      %get3A_44 = vector.load %arg8[%get3A_42, %get3A_43] : memref<512x128xf32, #tpu.memory_space<vmem>>, vector<512x1xf32>
      %mul3A_45 = vector.broadcast %get3A_44 : vector<512x1xf32> to vector<512x768xf32>
      %mul3A_46 = arith.mulf %add3A_41, %mul3A_45 : vector<512x768xf32>
      %swap3A = arith.constant 0 : index
      %swap3A_47 = arith.constant 0 : index
      %swap3A_48 = vector.load %arg9[%swap3A, %swap3A_47] : memref<512x768xf32, #tpu.memory_space<vmem>>, vector<512x768xf32>
      tpu.vector_store %arg9[%swap3A, %swap3A_47], %mul3A_46 {strides = array<i32>} : memref<512x768xf32, #tpu.memory_space<vmem>>, vector<512x768xf32>,
    } else {
    }
    return
  }
  func.func @transform_0(%arg0: i32, %arg1: memref<32xi32, #tpu.memory_space<smem>>, %arg2: memref<1xi32, #tpu.memory_space<smem>>) -> (i32, i32) {
    %c0_i32 = arith.constant 0 : i32
    %c0_i32_0 = arith.constant 0 : i32
    return %arg0, %c0_i32 : i32, i32
  }
  func.func @transform_1(%arg0: i32, %arg1: memref<32xi32, #tpu.memory_space<smem>>, %arg2: memref<1xi32, #tpu.memory_space<smem>>) -> (i32, i32, i32) {
    %get3A = arith.index_cast %arg0 : i32 to index
    %get3A_0 = memref.load %arg1[%get3A] : memref<32xi32, #tpu.memory_space<smem>>
    %c0_i32 = arith.constant 0 : i32
    %c0_i32_1 = arith.constant 0 : i32
    %c0_i32_2 = arith.constant 0 : i32
    return %get3A_0, %c0_i32, %c0_i32_1 : i32, i32, i32
  }
  func.func @transform_2(%arg0: i32, %arg1: memref<32xi32, #tpu.memory_space<smem>>, %arg2: memref<1xi32, #tpu.memory_space<smem>>) -> (i32, i32, i32) {
    %get3A = arith.index_cast %arg0 : i32 to index
    %get3A_0 = memref.load %arg1[%get3A] : memref<32xi32, #tpu.memory_space<smem>>
    %c0_i32 = arith.constant 0 : i32
    %c0_i32_1 = arith.constant 0 : i32
    %c0_i32_2 = arith.constant 0 : i32
    return %get3A_0, %c0_i32, %c0_i32_1 : i32, i32, i32
  }
  func.func @transform_3(%arg0: i32, %arg1: memref<32xi32, #tpu.memory_space<smem>>, %arg2: memref<1xi32, #tpu.memory_space<smem>>) -> (i32, i32, i32) {
    %get3A = arith.index_cast %arg0 : i32 to index
    %get3A_0 = memref.load %arg1[%get3A] : memref<32xi32, #tpu.memory_space<smem>>
    %c0_i32 = arith.constant 0 : i32
    %c0_i32_1 = arith.constant 0 : i32
    %c0_i32_2 = arith.constant 0 : i32
    return %get3A_0, %c0_i32, %c0_i32_1 : i32, i32, i32
  }
  func.func @transform_4(%arg0: i32, %arg1: memref<32xi32, #tpu.memory_space<smem>>, %arg2: memref<1xi32, #tpu.memory_space<smem>>) -> (i32, i32, i32) {
    %get3A = arith.index_cast %arg0 : i32 to index
    %get3A_0 = memref.load %arg1[%get3A] : memref<32xi32, #tpu.memory_space<smem>>
    %c0_i32 = arith.constant 0 : i32
    %c0_i32_1 = arith.constant 0 : i32
    %c0_i32_2 = arith.constant 0 : i32
    return %get3A_0, %c0_i32, %c0_i32_1 : i32, i32, i32
  }
  func.func @transform_5(%arg0: i32, %arg1: memref<32xi32, #tpu.memory_space<smem>>, %arg2: memref<1xi32, #tpu.memory_space<smem>>) -> (i32, i32) {
    %c0_i32 = arith.constant 0 : i32
    %c0_i32_0 = arith.constant 0 : i32
    return %arg0, %c0_i32 : i32, i32
  }
  func.func @transform_6(%arg0: i32, %arg1: memref<32xi32, #tpu.memory_space<smem>>, %arg2: memref<1xi32, #tpu.memory_space<smem>>) -> (i32, i32) {
    %c0_i32 = arith.constant 0 : i32
    %c0_i32_0 = arith.constant 0 : i32
    return %arg0, %c0_i32 : i32, i32
  }
}

</mosaic_0001>

<sc_bundles>
// kernel: kernel.6.cloned.1.call-start
scs
__scs_entry_jumppad:
0x0: {  	(pc) =	sbr.rel $0x88, $3  }
0x1: {  	(tag) =	ssettag $0x0;
	lr =	simm.s32 $0x1  }
0x2: {  	[smem:$0x3F9A] =	sst lr;
	_ =	strace $0xD0000000  }
0x3: {  	_ = 	snop  }
0x4: {  	_ = 	snop  }
0x5: {  	_ = 	snop  }
0x6: {  	_ = 	snop  }
0x7: {  	_ = 	snop  }
__scs_overlays_trampoline_lowered:
0x8: {  	[smem:$0x3FA9] =	sst s0  }
0x9: {  	[smem:$0x3FAA] =	sst s1  }
0xa: {  	[smem:$0x3FAB] =	sst s2  }
0xb: {  	[smem:$0x3FAC] =	sst s3  }
0xc: {  	[smem:$0x3FAD] =	sst s4  }
0xd: {  	[smem:$0x3FAE] =	sst s5  }
0xe: {  	[smem:$0x3FAF] =	sst s6  }
0xf: {  	[smem:$0x3FB0] =	sst s7  }
0x10: {  	[smem:$0x3FB1] =	sst s8  }
0x11: {  	[smem:$0x3FB2] =	sst s9;
	s0 =	simm.s32 @!p0 $0x0  }
0x12: {  	s1 =	sld [smem:$0x3F98];
	s0 =	simm.s32 @p0 $0x1  }
0x13: {  	[smem:$0x3FB3] =	sst s0;
	s0 =	simm.s32 @!p1 $0x0  }
0x14: {  	s2 =	sld [smem:$0x3F97];
	s0 =	simm.s32 @p1 $0x1  }
0x15: {  	[smem:$0x3FB4] =	sst s0;
	s0 =	simm.s32 @!p2 $0x0  }
0x16: {  	s3 =	sld [smem:$0x3FDB];
	s0 =	simm.s32 @p2 $0x1  }
0x17: {  	s4 =	simm.s32 $0x1BF5;
	[smem:$0x3FB6] =	sst s0  }
0x18: {  	s0 =	sld [smem:$0x3F99];
	_ =	swait.ge [sflag:s4], $0x0  }
0x19: {  	s7 =	sld [smem:$0x3F9A]  }
0x1a: {  	s8 =	sadd.s32 $0xFFFFE003, lr  }
0x1b: {  	s9 =	sadd.s32 $0xFFFFFEF7, lr;
	s5 =	simm.s32 $0xFFFFFFFF;
	p2 =	slt.u32 s8, $0xFFFFF086  }
0x1c: {  	p1 =	slt.u32 s9, $0xF7A;
	s5 =	simm.s32 @!p2 $0x0  }
0x1d: {  	s5 =	simm.s32 @p1 $0x1;
	p0 =	seq.s32 s7, s2  }
0x1e: {  	s7 =	smul.u32 @!p0 $0xF7A, s2;
	p2 =	seq.s32 @!p0 s5, $0x0  }
0x1f: {  	s9 =	smul.u32 $0xF7A, s1;
	s8 =	simm.s32 @!p0 $0x1BF5;
	p2 =	por !p2, p0  }
0x20: {  	[sflag:s8] =	ssyncset.s32 @!p0 $0xFFFFF086;
	s6 =	sadd.s32 @!p0 s3, s7;
	s7 =	simm.s32 @!p0 $0x108  }
0x21: {  	s3 =	sadd.s32 s3, s9;
	s6 =	sadd.s32 @!p0 $0x88, s6;
	s7 =	simm.s32 @p2 $0x1082  }
0x22: {  	[simem:s7], [sflag:s8] =	dma.local @!p0 [hbm:s6], $0xF7A  }
0x23: {  	s9 =	sor.u32 $0xD0000000, s2;
	s6 =	simm.s32 $0x108;
	_ =	swait.ge @!p0 [sflag:s8], $0x0  }
0x24: {  	s3 =	sadd.s32 $0x88, s3;
	s6 =	simm.s32 @!p1 $0x1082;
	[sflag:s4] =	ssyncset.s32 $0xFFFFF086  }
0x25: {  	[simem:s6], [sflag:s4] =	dma.local [hbm:s3], $0xF7A  }
0x26: {  	[smem:$0x3F9A] =	sst s1;
	(tag) =	ssettag s2;
	_ =	strace s9  }
0x27: {  	s1 =	sld [smem:$0x3FAA]  }
0x28: {  	s2 =	sld [smem:$0x3FAB]  }
0x29: {  	s4 =	sld [smem:$0x3FAD]  }
0x2a: {  	p0 =	seq.s32 s5, $0x0;
	s5 =	sld [smem:$0x3FAE]  }
0x2b: {  	s6 =	sld [smem:$0x3FAF]  }
0x2c: {  	s7 =	sld [smem:$0x3FB0]  }
0x2d: {  	s3 =	simm.s32 $0x108;
	s8 =	sld [smem:$0x3FB1]  }
0x2e: {  	s3 =	simm.s32 @!p0 $0x1082;
	s9 =	sld [smem:$0x3FB2]  }
0x2f: {  	lr =	sadd.s32 s0, s3;
	s0 =	sld [smem:$0x3FA9]  }
0x30: {  	s3 =	sld [smem:$0x3FAC]  }
0x31: {  	[smem:$0x3FB5] =	sst s10  }
0x32: {  	s10 =	sld [smem:$0x3FB3];
	_ =	sdelay $0x3  }
0x33: {  	p0 =	seq.s32 s10, $0x1;
	s10 =	sld [smem:$0x3FB5];
	_ =	sdelay $0x3  }
0x34: {  	[smem:$0x3FB5] =	sst s10  }
0x35: {  	s10 =	sld [smem:$0x3FB4];
	_ =	sdelay $0x3  }
0x36: {  	p1 =	seq.s32 s10, $0x1;
	s10 =	sld [smem:$0x3FB5];
	_ =	sdelay $0x3  }
0x37: {  	[smem:$0x3FB5] =	sst s10  }
0x38: {  	s10 =	sld [smem:$0x3FB6]  }
0x39: {  	_ = 	snop;
	(pc) =	sbr.ind lr, $3  }
0x3a: {  	_ = 	snop  }
0x3b: {  	_ = 	snop  }
0x3c: {  	p2 =	seq.s32 s10, $0x1;
	s10 =	sld [smem:$0x3FB5]  }
0x3d: {  	_ =	shalt  }
0x3e: {  	_ =	shalt  }
0x3f: {  	_ =	shalt  }
0x40: {  	_ =	shalt  }
0x41: {  	_ =	shalt  }
0x42: {  	_ =	shalt  }
0x43: {  	_ =	shalt  }
0x44: {  	_ =	shalt  }
0x45: {  	_ =	shalt  }
0x46: {  	_ =	shalt  }
0x47: {  	_ =	shalt  }
0x48: {  	_ =	shalt  }
0x49: {  	_ =	shalt  }
0x4a: {  	_ =	shalt  }
0x4b: {  	_ =	shalt  }
0x4c: {  	_ =	shalt  }
0x4d: {  	_ =	shalt  }
0x4e: {  	_ =	shalt  }
0x4f: {  	_ =	shalt  }
0x50: {  	_ =	shalt  }
0x51: {  	_ =	shalt  }
0x52: {  	_ =	shalt  }
0x53: {  	_ =	shalt  }
0x54: {  	_ =	shalt  }
0x55: {  	_ =	shalt  }
0x56: {  	_ =	shalt  }
0x57: {  	_ =	shalt  }
0x58: {  	_ =	shalt  }
0x59: {  	_ =	shalt  }
0x5a: {  	_ =	shalt  }
0x5b: {  	_ =	shalt  }
0x5c: {  	_ =	shalt  }
0x5d: {  	_ =	shalt  }
0x5e: {  	_ =	shalt  }
0x5f: {  	_ =	shalt  }
0x60: {  	_ =	shalt  }
0x61: {  	_ =	shalt  }
0x62: {  	_ =	shalt  }
0x63: {  	_ =	shalt  }
0x64: {  	_ =	shalt  }
0x65: {  	_ =	shalt  }
0x66: {  	_ =	shalt  }
0x67: {  	_ =	shalt  }
0x68: {  	_ =	shalt  }
0x69: {  	_ =	shalt  }
0x6a: {  	_ =	shalt  }
0x6b: {  	_ =	shalt  }
0x6c: {  	_ =	shalt  }
0x6d: {  	_ =	shalt  }
0x6e: {  	_ =	shalt  }
0x6f: {  	_ =	shalt  }
0x70: {  	_ =	shalt  }
0x71: {  	_ =	shalt  }
0x72: {  	_ =	shalt  }
0x73: {  	_ =	shalt  }
0x74: {  	_ =	shalt  }
0x75: {  	_ =	shalt  }
0x76: {  	_ =	shalt  }
0x77: {  	_ =	shalt  }
0x78: {  	_ =	shalt  }
0x79: {  	_ =	shalt  }
0x7a: {  	_ =	shalt  }
0x7b: {  	_ =	shalt  }
0x7c: {  	_ =	shalt  }
0x7d: {  	_ =	shalt  }
0x7e: {  	_ =	shalt  }
0x7f: {  	_ =	shalt  }
0x80: {  	_ =	shalt  }
0x81: {  	_ =	shalt  }
0x82: {  	_ =	shalt  }
0x83: {  	_ =	shalt  }
0x84: {  	_ =	shalt  }
0x85: {  	_ =	shalt  }
0x86: {  	_ =	shalt  }
0x87: {  	_ =	shalt  }
.Lfunc_end0:
.L_simem_size_0:
called_computation_lowered:
.L_overlay_start_0:
0x88: {  	s2 =	sld [smem:$0x3FD9]  }
0x89: {  	s3 =	sld [smem:$0x3FFE];
	_ =	sdelay $0x1  }
0x8a: {  	s1 =	srdreg.scid  }
0x8b: {  	s0 =	sand.u32 $0x1, s1  }
0x8c: {  	s17 =	sshll.u32 s0, $0xA;
	s2 =	sadd.s32 s3, s2  }
0x8d: {  	s2 =	sadd.s32 s2, s17  }
0x8e: {  	[smem:$0x3FC1] =	sst s2  }
0x8f: {  	_ = 	snop  }
0x90: {  	s2 =	sld [smem:$0x3FC9]  }
0x91: {  	s18 =	sld [smem:$0x3FD0];
	(tm) =	ssettm $0x1  }
0x92: {  	s4 =	sld [smem:$0x3FFB];
	_ =	sdelay $0x3  }
0x93: {  	_ =	strace s4  }
0x94: {  	s4 =	sld [smem:$0x3FFC];
	_ =	sdelay $0x3  }
0x95: {  	_ =	strace s4  }
0x96: {  	s4 =	sld [smem:$0x3FFD];
	_ =	sdelay $0x3  }
0x97: {  	_ =	strace s4  }
0x98: {  	_ =	strace $0x8FFFFFFF  }
0x99: {  	s19 =	sld [smem:$0x3FDB];
	_ =	sdelay $0x1  }
0x9a: {  	s5 =	simm.s32 $_scs_section_size  }
0x9b: {  	s6 =	simm.s32 $_size__tile_overlayer_lowered;
	s7 =	simm.s32 $_tile_overlayer_lowered  }
0x9c: {  	s22 =	simm.s32 $0x1BFF;
	s21 =	sshll.u32 s7, $0x1;
	s4 =	sadd.s32 s5, s19  }
0x9d: {  	s8 =	simm.s32 $0x0;
	s20 =	sshll.u32 s6, $0x1;
	s6 =	sadd.s32 s21, s4  }
0x9e: {  	[timem:s8], [sflag:s22] =	dma.local [hbm:s6], s20  }
0x9f: {  	_ =	swait.ge [sflag:s22], s20  }
0xa0: {  	s5 =	ssub.s32 $0x0, s20;
	[sflag:s22] =	ssyncset.done $0x0  }
0xa1: {  	[sflag:s22] =	ssyncadd.s32 s5;
	_ =	sdelay $0x1  }
0xa2: {  	s23 =	simm.s32 $0x1B8B  }
0xa3: {  	_ =	swait.ge [sflag:s23], $0x1  }
0xa4: {  	[sflag:s23] =	ssyncset.done $0x0  }
0xa5: {  	s25 =	simm.s32 $0x1B8E;
	s24 =	sld [smem:$0x3FFE];
	[sflag:s23] =	ssyncadd.s32 $0xFFFFFFFF  }
0xa6: {  	s26 =	simm.s32 $execute0_lowered;
	[smem:$0x3FD2] =	sst s25  }
0xa7: {  	s6 =	sshll.u32 s26, $0x1;
	_ =	strace $0x80000046;
	[dreg:$0x1] =	wrdreg $0xFFFFFFFF  }
0xa8: {  	s28 =	simm.s32 $_size_execute0_lowered;
	s4 =	sadd.s32 s4, s6;
	[dreg:$0x0] =	wrdreg $0x0  }
0xa9: {  	s6 =	sshll.u32 s28, $0x1;
	[dreg:$0x2] =	wrdreg s4  }
0xaa: {  	[dreg:$0x3] =	wrdreg s6  }
0xab: {  	[dreg:$0x4] =	wrdreg $0xC0  }
0xac: {  	_ =	task [dreg:s8], $0x5FFFF  }
0xad: {  	[dreg:$0x1] =	wrdreg $0xFFFFFFFF  }
0xae: {  	[dreg:$0x0] =	wrdreg $0x60  }
0xaf: {  	[dreg:$0x2] =	wrdreg s2  }
0xb0: {  	[dreg:$0x3] =	wrdreg s24  }
0xb1: {  	[dreg:$0x4] =	wrdreg s18  }
0xb2: {  	[dreg:$0x5] =	wrdreg $0x9  }
0xb3: {  	_ =	task.clear_ibuf [dreg:s8], $0x6FFFF;
	_ =	strace $0x90000046  }
0xb4: {  	s29 =	simm.s32 $0x9;
	_ =	strace $0x80000048  }
0xb5: {  	_ =	swait.ge [sflag:s29], $0x1  }
0xb6: {  	[sflag:s29] =	ssyncadd.s32 $0xFFFFFFFF  }
0xb7: {  	_ =	strace $0x90000048  }
0xb8: {  	_ =	sfence  }
0xb9: {  	s30 =	sld [smem:$0x0];
	_ =	sdelay $0x2  }
0xba: {  	s31 =	sshll.u32 s1, $0xD;
	s1 =	sshrl.u32 s1, $0x2  }
0xbb: {  	s3 =	sand.u32 $0x4000, s31;
	s1 =	sadd.s32 s1, s30  }
0xbc: {  	s0 =	sor.u32 s3, s0;
	s1 =	sshll.u32 s1, $0x11  }
0xbd: {  	s0 =	sor.u32 s1, s0  }
0xbe: {  	s0 =	sadd.s32 $0x8F2B, s0  }
0xbf: {  	[sflag:s0] =	ssyncadd.remote.s32 $0x1  }
0xc0: {  	_ =	sfence.sel $0xFFFF  }
0xc1: {  	[dreg:$0x0] =	wrdreg $0xFFFFFFFF;
	(pc) =	sbr.abs _section_cstart, $3  }
0xc2: {  	[dreg:$0x1] =	wrdreg $0xFFFFFFFF  }
0xc3: {  	_ =	task.clear_ibuf [dreg:s8], $0x2FFFF;
	_ =	strace $0x9FFFFFFF  }
0xc4: {  	(tm) =	ssettm $0x7FFFFFFF  }
0xc5: {  	_ =	shalt  }
tec
execute0_lowered:
.L_overlay_start_1:
0x0: {  	(tag) =	ssettag $0x1  }
0x1: {  	s0 =	rddreg [dreg:$0x0]  }
0x2: {  	s1 =	srdreg.scid;
	s2 =	rddreg [dreg:$0x1]  }
0x3: {  	s3 =	stileid.u32;
	s12 =	simm.s32 $0x1;
	s16 =	simm.s32 $0xC100  }
0x4: {  	s17 =	simm.s32 $0x1100;
	s18 =	simm.s32 $0x1900;
	s19 =	simm.s32 $0x2100  }
0x5: {  	s20 =	simm.s32 $0x2900;
	s21 =	simm.s32 $0x3100;
	s22 =	simm.s32 $0x3900  }
0x6: {  	s23 =	simm.s32 $0x4100;
	s28 =	simm.s32 $0x6100;
	s29 =	simm.s32 $0x6900  }
0x7: {  	s30 =	simm.s32 $0x7100;
	s31 =	simm.s32 $0x7900;
	s10 =	simm.s32 $0xA100  }
0x8: {  	s11 =	simm.s32 $0xA900;
	s9 =	simm.s32 $0xB100;
	s1 =	sand.u32 $0x1, s1  }
0x9: {  	s5 =	sshll.u32 s3, $0x6;
	s3 =	simm.s32 $0x0;
	s4 =	sshll.u32 s1, $0xA  }
0xa: {  	s15 =	simm.s32 $0xB900;
	[smem:$0x7FF] =	sst s3;
	s4 =	sor.u32 s5, s4  }
0xb: {  	s1 =	ssub.s32 $0x2, s1;
	_ =	strace $0x80000047;
	s5 =	sshrl.u32 s4, $0x3  }
0xc: {  	s24 =	sshrl.u32 s1, $0x1;
	s4 =	sshll.u32 s4, $0x4;
	s6 =	sadd.s32 s5, s2  }
0xd: {  	s1 =	ssub.s32 s1, s24;
	s24 =	simm.s32 $0x4900;
	s8 =	sadd.s32 $0x11000, s6  }
0xe: {  	s7 =	sadd.s32 s4, s2;
	s6 =	sadd.s32 $0x11200, s6;
	[dreg:$0x4] =	wrdreg s8  }
0xf: {  	s5 =	smul.u32 $0x300, s5;
	s25 =	sadd.s32 $0x1000, s7;
	[dreg:$0x5] =	wrdreg s6  }
0x10: {  	s4 =	sadd.s32 $0x11400, s2;
	s26 =	sadd.s32 $0x9000, s7;
	[dreg:$0x7] =	wrdreg s25  }
0x11: {  	v2 =	vlaneseq.u32;
	s7 =	smax.u32 s1, $0x1;
	s0 =	sadd.s32 s0, s5;
	[dreg:$0x8] =	wrdreg s26  }
0x12: {  	vm0 =	vmmov $0xffff;
	v1 =	vshrl.u32 v2, $0x3;
	s5 =	sadd.s32 $0x11500, s2;
	s6 =	sadd.s32 $0x11600, s2;
	s25 =	simm.s32 $0x5100  }
0x13: {  	v0 =	vand.u32 $0x7, v2;
	v2 =	vor.u32 $0x8, v2;
	v1 =	vmul.u32 $0x8, v1;
	s26 =	simm.s32 $0x5900;
	s8 =	simm.s32 $0x9900;
	[dreg:$0x6] =	wrdreg s0  }
.LBB2_1:
0x14: {  	s13 =	rddreg [dreg:$0x4]  }
0x15: {  	[tilespmem:s3], [sflag:$0x1] =	stream.linear.gather [hbm4b:s13+s3], $0x40, $0x38;
	[tilespmem:$0x10100] =	vst v63  }
0x16: {  	s14 =	rddreg [dreg:$0x5];
	s0 =	simm.s32 $0x80  }
0x17: {  	[tilespmem:s0], [sflag:$0x1] =	stream.linear.gather [hbm4b:s14+s3], $0x40, $0x38;
	[tilespmem:$0x10100] =	vst v63  }
0x18: {  	s2 =	rddreg [dreg:$0x6];
	s0 =	simm.s32 $0x100  }
0x19: {  	[tilespmem:s0], [sflag:$0x1] =	stream.linear.gather [hbm4b:s2+s3], $0xC000, $0x38;
	[tilespmem:$0x10100] =	vst v63  }
0x1a: {  	s1 =	rddreg [dreg:$0x7]  }
0x1b: {  	[tilespmem:s16], [sflag:$0x1] =	stream.linear.gather [hbm4b:s1+s3], $0x2000, $0x38;
	[tilespmem:$0x10100] =	vst v63  }
0x1c: {  	s2 =	rddreg [dreg:$0x8];
	s1 =	simm.s32 $0xE100  }
0x1d: {  	[tilespmem:s1], [sflag:$0x1] =	stream.linear.gather [hbm4b:s2+s3], $0x2000, $0x38;
	[tilespmem:$0x10100] =	vst v63  }
0x1e: {  	_ =	swait.ge [sflag:s12], $0x40  }
0x1f: {  	[sflag:s12] =	ssyncset.done $0x0  }
0x20: {  	[sflag:s12] =	ssyncadd.s32 $0xFFFFFFC0  }
0x21: {  	_ =	swait.ge [sflag:s12], $0x40  }
0x22: {  	[sflag:s12] =	ssyncset.done $0x0  }
0x23: {  	[sflag:s12] =	ssyncadd.s32 $0xFFFFFFC0  }
0x24: {  	_ =	swait.ge [sflag:s12], $0xC000  }
0x25: {  	[sflag:s12] =	ssyncset.done $0x0  }
0x26: {  	[sflag:s12] =	ssyncadd.s32 $0xFFFF4000  }
0x27: {  	_ =	swait.ge [sflag:s12], $0x2000  }
0x28: {  	[sflag:s12] =	ssyncset.done $0x0  }
0x29: {  	[sflag:s12] =	ssyncadd.s32 $0xFFFFE000  }
0x2a: {  	_ =	swait.ge [sflag:s12], $0x2000  }
0x2b: {  	[sflag:s12] =	ssyncset.done $0x0  }
0x2c: {  	[sflag:s12] =	ssyncadd.s32 $0xFFFFE000  }
0x2d: {  	v3 =	vld [tilespmem:$0x0];
	_ =	sdelay $0x4  }
0x2e: {  	v4 =	vshrl.u32 v3, $0x3  }
0x2f: {  	v4 =	vmul.u32 $0x30, v4  }
0x30: {  	v3 =	vand.u32 $0x7, v3  }
0x31: {  	v3 =	vor.u32 v3, v4  }
0x32: {  	v4 =	vperm.xlane v3, v0;
	_ =	sdelay $0x1  }
0x33: {  	v4 =	vadd.s32 v1, v4;
	_ =	sdelay $0x3  }
0x34: {  	v3 =	vperm.xlane v3, v2  }
0x35: {  	[hbm4b:s4+s3] =	stream.indirect_vreg.scatter [tilespmem:s0], [sflag:$0x1], $0x80, v4, vm0, $0xb8;
	[tilespmem:$0x10100] =	vst v63  }
0x36: {  	s13 =	simm.s32 $0x900;
	v3 =	vadd.s32 v1, v3  }
0x37: {  	[hbm4b:s5+s3] =	stream.indirect_vreg.scatter [tilespmem:s13], [sflag:$0x1], $0x80, v4, vm0, $0xb8;
	[tilespmem:$0x10100] =	vst v63  }
0x38: {  	_ = 	snop  }
0x39: {  	[hbm4b:s6+s3] =	stream.indirect_vreg.scatter [tilespmem:s17], [sflag:$0x1], $0x80, v4, vm0, $0xb8;
	[tilespmem:$0x10100] =	vst v63  }
0x3a: {  	_ = 	snop  }
0x3b: {  	[hbm4b:s4+s3] =	stream.indirect_vreg.scatter [tilespmem:s18], [sflag:$0x1], $0x80, v3, vm0, $0xb8;
	[tilespmem:$0x10100] =	vst v63  }
0x3c: {  	_ = 	snop  }
0x3d: {  	[hbm4b:s5+s3] =	stream.indirect_vreg.scatter [tilespmem:s19], [sflag:$0x1], $0x80, v3, vm0, $0xb8;
	[tilespmem:$0x10100] =	vst v63  }
0x3e: {  	_ = 	snop  }
0x3f: {  	[hbm4b:s6+s3] =	stream.indirect_vreg.scatter [tilespmem:s20], [sflag:$0x1], $0x80, v3, vm0, $0xb8;
	[tilespmem:$0x10100] =	vst v63  }
0x40: {  	v3 =	vld [tilespmem:$0x10];
	_ =	sdelay $0x4  }
0x41: {  	v57 =	vshrl.u32 v3, $0x3  }
0x42: {  	v4 =	vmul.u32 $0x30, v57  }
0x43: {  	v3 =	vand.u32 $0x7, v3  }
0x44: {  	v3 =	vor.u32 v3, v4  }
0x45: {  	v4 =	vperm.xlane v3, v0;
	_ =	sdelay $0x1  }
0x46: {  	v4 =	vadd.s32 v1, v4;
	_ =	sdelay $0x3  }
0x47: {  	v3 =	vperm.xlane v3, v2  }
0x48: {  	[hbm4b:s4+s3] =	stream.indirect_vreg.scatter [tilespmem:s21], [sflag:$0x1], $0x80, v4, vm0, $0xb8;
	[tilespmem:$0x10100] =	vst v63  }
0x49: {  	v3 =	vadd.s32 v1, v3  }
0x4a: {  	[hbm4b:s5+s3] =	stream.indirect_vreg.scatter [tilespmem:s22], [sflag:$0x1], $0x80, v4, vm0, $0xb8;
	[tilespmem:$0x10100] =	vst v63  }
0x4b: {  	_ = 	snop  }
0x4c: {  	[hbm4b:s6+s3] =	stream.indirect_vreg.scatter [tilespmem:s23], [sflag:$0x1], $0x80, v4, vm0, $0xb8;
	[tilespmem:$0x10100] =	vst v63  }
0x4d: {  	_ = 	snop  }
0x4e: {  	[hbm4b:s4+s3] =	stream.indirect_vreg.scatter [tilespmem:s24], [sflag:$0x1], $0x80, v3, vm0, $0xb8;
	[tilespmem:$0x10100] =	vst v63  }
0x4f: {  	_ = 	snop  }
0x50: {  	[hbm4b:s5+s3] =	stream.indirect_vreg.scatter [tilespmem:s25], [sflag:$0x1], $0x80, v3, vm0, $0xb8;
	[tilespmem:$0x10100] =	vst v63  }
0x51: {  	_ = 	snop  }
0x52: {  	[hbm4b:s6+s3] =	stream.indirect_vreg.scatter [tilespmem:s26], [sflag:$0x1], $0x80, v3, vm0, $0xb8;
	[tilespmem:$0x10100] =	vst v63  }
0x53: {  	v3 =	vld [tilespmem:$0x20];
	_ =	sdelay $0x4  }
0x54: {  	v58 =	vshrl.u32 v3, $0x3  }
0x55: {  	v4 =	vmul.u32 $0x30, v58  }
0x56: {  	v3 =	vand.u32 $0x7, v3  }
0x57: {  	v3 =	vor.u32 v3, v4  }
0x58: {  	v4 =	vperm.xlane v3, v0;
	_ =	sdelay $0x1  }
0x59: {  	v4 =	vadd.s32 v1, v4;
	_ =	sdelay $0x3  }
0x5a: {  	v3 =	vperm.xlane v3, v2  }
0x5b: {  	[hbm4b:s4+s3] =	stream.indirect_vreg.scatter [tilespmem:s28], [sflag:$0x1], $0x80, v4, vm0, $0xb8;
	[tilespmem:$0x10100] =	vst v63  }
0x5c: {  	v3 =	vadd.s32 v1, v3  }
0x5d: {  	[hbm4b:s5+s3] =	stream.indirect_vreg.scatter [tilespmem:s29], [sflag:$0x1], $0x80, v4, vm0, $0xb8;
	[tilespmem:$0x10100] =	vst v63  }
0x5e: {  	_ = 	snop  }
0x5f: {  	[hbm4b:s6+s3] =	stream.indirect_vreg.scatter [tilespmem:s30], [sflag:$0x1], $0x80, v4, vm0, $0xb8;
	[tilespmem:$0x10100] =	vst v63  }
0x60: {  	_ = 	snop  }
0x61: {  	[hbm4b:s4+s3] =	stream.indirect_vreg.scatter [tilespmem:s31], [sflag:$0x1], $0x80, v3, vm0, $0xb8;
	[tilespmem:$0x10100] =	vst v63  }
0x62: {  	s1 =	simm.s32 $0x8100  }
0x63: {  	[hbm4b:s5+s3] =	stream.indirect_vreg.scatter [tilespmem:s1], [sflag:$0x1], $0x80, v3, vm0, $0xb8;
	[tilespmem:$0x10100] =	vst v63  }
0x64: {  	s14 =	simm.s32 $0x8900  }
0x65: {  	[hbm4b:s6+s3] =	stream.indirect_vreg.scatter [tilespmem:s14], [sflag:$0x1], $0x80, v3, vm0, $0xb8;
	[tilespmem:$0x10100] =	vst v63  }
0x66: {  	v3 =	vld [tilespmem:$0x30];
	_ =	sdelay $0x4  }
0x67: {  	v59 =	vshrl.u32 v3, $0x3  }
0x68: {  	v4 =	vmul.u32 $0x30, v59  }
0x69: {  	v3 =	vand.u32 $0x7, v3  }
0x6a: {  	v3 =	vor.u32 v3, v4  }
0x6b: {  	v4 =	vperm.xlane v3, v0;
	_ =	sdelay $0x1  }
0x6c: {  	v4 =	vadd.s32 v1, v4;
	_ =	sdelay $0x3  }
0x6d: {  	s2 =	simm.s32 $0x9100;
	v3 =	vperm.xlane v3, v2  }
0x6e: {  	[hbm4b:s4+s3] =	stream.indirect_vreg.scatter [tilespmem:s2], [sflag:$0x1], $0x80, v4, vm0, $0xb8;
	[tilespmem:$0x10100] =	vst v63  }
0x6f: {  	v3 =	vadd.s32 v1, v3  }
0x70: {  	[hbm4b:s5+s3] =	stream.indirect_vreg.scatter [tilespmem:s8], [sflag:$0x1], $0x80, v4, vm0, $0xb8;
	[tilespmem:$0x10100] =	vst v63  }
0x71: {  	_ = 	snop  }
0x72: {  	[hbm4b:s6+s3] =	stream.indirect_vreg.scatter [tilespmem:s10], [sflag:$0x1], $0x80, v4, vm0, $0xb8;
	[tilespmem:$0x10100] =	vst v63  }
0x73: {  	_ = 	snop  }
0x74: {  	[hbm4b:s4+s3] =	stream.indirect_vreg.scatter [tilespmem:s11], [sflag:$0x1], $0x80, v3, vm0, $0xb8;
	[tilespmem:$0x10100] =	vst v63  }
0x75: {  	_ = 	snop  }
0x76: {  	[hbm4b:s5+s3] =	stream.indirect_vreg.scatter [tilespmem:s9], [sflag:$0x1], $0x80, v3, vm0, $0xb8;
	[tilespmem:$0x10100] =	vst v63  }
0x77: {  	_ = 	snop  }
0x78: {  	[hbm4b:s6+s3] =	stream.indirect_vreg.scatter [tilespmem:s15], [sflag:$0x1], $0x80, v3, vm0, $0xb8;
	[tilespmem:$0x10100] =	vst v63  }
0x79: {  	v3 =	vld [tilespmem:$0x80];
	_ =	sdelay $0x4  }
0x7a: {  	v60 =	vshrl.u32 v3, $0x3  }
0x7b: {  	v4 =	vmul.u32 $0x30, v60  }
0x7c: {  	v3 =	vand.u32 $0x7, v3  }
0x7d: {  	v3 =	vor.u32 v3, v4  }
0x7e: {  	v4 =	vperm.xlane v3, v0;
	_ =	sdelay $0x1  }
0x7f: {  	v4 =	vadd.s32 v1, v4;
	_ =	sdelay $0x3  }
0x80: {  	v3 =	vperm.xlane v3, v2  }
0x81: {  	[hbm4b:s4+s3] =	stream.indirect_vreg.scatter [tilespmem:s0], [sflag:$0x1], $0x80, v4, vm0, $0xb8;
	[tilespmem:$0x10100] =	vst v63  }
0x82: {  	v3 =	vadd.s32 v1, v3  }
0x83: {  	[hbm4b:s5+s3] =	stream.indirect_vreg.scatter [tilespmem:s13], [sflag:$0x1], $0x80, v4, vm0, $0xb8;
	[tilespmem:$0x10100] =	vst v63  }
0x84: {  	_ = 	snop  }
0x85: {  	[hbm4b:s6+s3] =	stream.indirect_vreg.scatter [tilespmem:s17], [sflag:$0x1], $0x80, v4, vm0, $0xb8;
	[tilespmem:$0x10100] =	vst v63  }
0x86: {  	_ = 	snop  }
0x87: {  	[hbm4b:s4+s3] =	stream.indirect_vreg.scatter [tilespmem:s18], [sflag:$0x1], $0x80, v3, vm0, $0xb8;
	[tilespmem:$0x10100] =	vst v63  }
0x88: {  	_ = 	snop  }
0x89: {  	[hbm4b:s5+s3] =	stream.indirect_vreg.scatter [tilespmem:s19], [sflag:$0x1], $0x80, v3, vm0, $0xb8;
	[tilespmem:$0x10100] =	vst v63  }
0x8a: {  	_ = 	snop  }
0x8b: {  	[hbm4b:s6+s3] =	stream.indirect_vreg.scatter [tilespmem:s20], [sflag:$0x1], $0x80, v3, vm0, $0xb8;
	[tilespmem:$0x10100] =	vst v63  }
0x8c: {  	v3 =	vld [tilespmem:$0x90];
	_ =	sdelay $0x4  }
0x8d: {  	v61 =	vshrl.u32 v3, $0x3  }
0x8e: {  	v4 =	vmul.u32 $0x30, v61  }
0x8f: {  	v3 =	vand.u32 $0x7, v3  }
0x90: {  	v3 =	vor.u32 v3, v4  }
0x91: {  	v4 =	vperm.xlane v3, v0;
	_ =	sdelay $0x1  }
0x92: {  	v4 =	vadd.s32 v1, v4;
	_ =	sdelay $0x3  }
0x93: {  	v3 =	vperm.xlane v3, v2  }
0x94: {  	[hbm4b:s4+s3] =	stream.indirect_vreg.scatter [tilespmem:s21], [sflag:$0x1], $0x80, v4, vm0, $0xb8;
	[tilespmem:$0x10100] =	vst v63  }
0x95: {  	v3 =	vadd.s32 v1, v3  }
0x96: {  	[hbm4b:s5+s3] =	stream.indirect_vreg.scatter [tilespmem:s22], [sflag:$0x1], $0x80, v4, vm0, $0xb8;
	[tilespmem:$0x10100] =	vst v63  }
0x97: {  	_ = 	snop  }
0x98: {  	[hbm4b:s6+s3] =	stream.indirect_vreg.scatter [tilespmem:s23], [sflag:$0x1], $0x80, v4, vm0, $0xb8;
	[tilespmem:$0x10100] =	vst v63  }
0x99: {  	_ = 	snop  }
0x9a: {  	[hbm4b:s4+s3] =	stream.indirect_vreg.scatter [tilespmem:s24], [sflag:$0x1], $0x80, v3, vm0, $0xb8;
	[tilespmem:$0x10100] =	vst v63  }
0x9b: {  	_ = 	snop  }
0x9c: {  	[hbm4b:s5+s3] =	stream.indirect_vreg.scatter [tilespmem:s25], [sflag:$0x1], $0x80, v3, vm0, $0xb8;
	[tilespmem:$0x10100] =	vst v63  }
0x9d: {  	_ = 	snop  }
0x9e: {  	[hbm4b:s6+s3] =	stream.indirect_vreg.scatter [tilespmem:s26], [sflag:$0x1], $0x80, v3, vm0, $0xb8;
	[tilespmem:$0x10100] =	vst v63  }
0x9f: {  	v3 =	vld [tilespmem:$0xA0];
	_ =	sdelay $0x4  }
0xa0: {  	v62 =	vshrl.u32 v3, $0x3  }
0xa1: {  	v4 =	vmul.u32 $0x30, v62  }
0xa2: {  	v3 =	vand.u32 $0x7, v3  }
0xa3: {  	v3 =	vor.u32 v3, v4  }
0xa4: {  	v4 =	vperm.xlane v3, v0;
	_ =	sdelay $0x1  }
0xa5: {  	v4 =	vadd.s32 v1, v4;
	_ =	sdelay $0x3  }
0xa6: {  	v3 =	vperm.xlane v3, v2  }
0xa7: {  	[hbm4b:s4+s3] =	stream.indirect_vreg.scatter [tilespmem:s28], [sflag:$0x1], $0x80, v4, vm0, $0xb8;
	[tilespmem:$0x10100] =	vst v63  }
0xa8: {  	v3 =	vadd.s32 v1, v3  }
0xa9: {  	[hbm4b:s5+s3] =	stream.indirect_vreg.scatter [tilespmem:s29], [sflag:$0x1], $0x80, v4, vm0, $0xb8;
	[tilespmem:$0x10100] =	vst v63  }
0xaa: {  	_ = 	snop  }
0xab: {  	[hbm4b:s6+s3] =	stream.indirect_vreg.scatter [tilespmem:s30], [sflag:$0x1], $0x80, v4, vm0, $0xb8;
	[tilespmem:$0x10100] =	vst v63  }
0xac: {  	_ = 	snop  }
0xad: {  	[hbm4b:s4+s3] =	stream.indirect_vreg.scatter [tilespmem:s31], [sflag:$0x1], $0x80, v3, vm0, $0xb8;
	[tilespmem:$0x10100] =	vst v63  }
0xae: {  	_ = 	snop  }
0xaf: {  	[hbm4b:s5+s3] =	stream.indirect_vreg.scatter [tilespmem:s1], [sflag:$0x1], $0x80, v3, vm0, $0xb8;
	[tilespmem:$0x10100] =	vst v63  }
0xb0: {  	_ = 	snop  }
0xb1: {  	[hbm4b:s6+s3] =	stream.indirect_vreg.scatter [tilespmem:s14], [sflag:$0x1], $0x80, v3, vm0, $0xb8;
	[tilespmem:$0x10100] =	vst v63  }
0xb2: {  	v3 =	vld [tilespmem:$0xB0];
	_ =	sdelay $0x4  }
0xb3: {  	v63 =	vshrl.u32 v3, $0x3  }
0xb4: {  	v4 =	vmul.u32 $0x30, v63  }
0xb5: {  	v3 =	vand.u32 $0x7, v3  }
0xb6: {  	v3 =	vor.u32 v3, v4  }
0xb7: {  	v4 =	vperm.xlane v3, v0;
	_ =	sdelay $0x1  }
0xb8: {  	v4 =	vadd.s32 v1, v4;
	_ =	sdelay $0x3  }
0xb9: {  	v3 =	vperm.xlane v3, v2  }
0xba: {  	[hbm4b:s4+s3] =	stream.indirect_vreg.scatter [tilespmem:s2], [sflag:$0x1], $0x80, v4, vm0, $0xb8;
	[tilespmem:$0x10100] =	vst v63  }
0xbb: {  	v3 =	vadd.s32 v1, v3  }
0xbc: {  	[hbm4b:s5+s3] =	stream.indirect_vreg.scatter [tilespmem:s8], [sflag:$0x1], $0x80, v4, vm0, $0xb8;
	[tilespmem:$0x10100] =	vst v63  }
0xbd: {  	_ = 	snop  }
0xbe: {  	[hbm4b:s6+s3] =	stream.indirect_vreg.scatter [tilespmem:s10], [sflag:$0x1], $0x80, v4, vm0, $0xb8;
	[tilespmem:$0x10100] =	vst v63  }
0xbf: {  	_ = 	snop  }
0xc0: {  	[hbm4b:s4+s3] =	stream.indirect_vreg.scatter [tilespmem:s11], [sflag:$0x1], $0x80, v3, vm0, $0xb8;
	[tilespmem:$0x10100] =	vst v63  }
0xc1: {  	_ = 	snop  }
0xc2: {  	[hbm4b:s5+s3] =	stream.indirect_vreg.scatter [tilespmem:s9], [sflag:$0x1], $0x80, v3, vm0, $0xb8;
	[tilespmem:$0x10100] =	vst v63  }
0xc3: {  	_ = 	snop  }
0xc4: {  	[hbm4b:s6+s3] =	stream.indirect_vreg.scatter [tilespmem:s15], [sflag:$0x1], $0x80, v3, vm0, $0xb8;
	[tilespmem:$0x10100] =	vst v63  }
0xc5: {  	s0 =	rddreg [dreg:$0x2];
	s1 =	simm.s32 $0x40  }
0xc6: {  	[hbm4b:s0+s1] =	stream.indirect.scatter [tilespmem:s16], [sflag:$0x1], $0x80, s3, s1, $0xb8;
	[tilespmem:$0x10100] =	vst v63  }
0xc7: {  	s14 =	simm.s32 $0xE100;
	s2 =	simm.s32 $0x80  }
0xc8: {  	[hbm4b:s0+s1] =	stream.indirect.scatter [tilespmem:s14], [sflag:$0x1], $0x80, s2, s1, $0xb8;
	[tilespmem:$0x10100] =	vst v63  }
0xc9: {  	_ =	swait.ge [sflag:s12], $0xC000  }
0xca: {  	[sflag:s12] =	ssyncset.done $0x0  }
0xcb: {  	[sflag:s12] =	ssyncadd.s32 $0xFFFF4000  }
0xcc: {  	_ =	swait.ge [sflag:s12], $0xC000  }
0xcd: {  	[sflag:s12] =	ssyncset.done $0x0  }
0xce: {  	[sflag:s12] =	ssyncadd.s32 $0xFFFF4000  }
0xcf: {  	p0 =	sne.s32 s7, $0x1;
	_ =	swait.ge [sflag:s12], $0x2000  }
.Ltmp0:
0xd0: {  	[sflag:s12] =	ssyncset.done $0x0;
	(pc) =	sbr.rel @p0 .LBB2_1-.Ltmp0, $4  }
0xd1: {  	[sflag:s12] =	ssyncadd.s32 $0xFFFFE000  }
0xd2: {  	_ =	swait.ge [sflag:s12], $0x2000  }
0xd3: {  	[sflag:s12] =	ssyncset.done $0x0  }
0xd4: {  	s7 =	sadd.s32 $0xFFFFFFFF, s7;
	[sflag:s12] =	ssyncadd.s32 $0xFFFFE000  }
0xd5: {  	_ =	sfence.sel $0x180000  }
0xd6: {  	[bflag:$0x0] =	sbarrier.arrive $0xFFFF  }
0xd7: {  	_ =	strace $0x90000047  }
0xd8: {  	s0 =	stileid.u32;
	[bflag:$0x2] =	sbarrier.arrive $0xFFFF  }
0xd9: {  	p0 =	sne.s32 s0, $0x0;
	s0 =	rddreg [dreg:$0x3]  }
0xda: {  	s0 =	sadd.s32 @!p0 $0x100000, s0  }
0xdb: {  	[sflag:s0] =	ssyncadd.tile.s32 @!p0 $0x1;
	_ =	shalt  }
.Lfunc_end2:
_tile_overlayer_lowered:
.L_overlay_start_2:
0xdc: {  	(tag) =	ssettag $0x2  }
0xdd: {  	s0 =	rddreg [dreg:$0x0];
	s2 =	stileid.u32  }
0xde: {  	s1 =	rddreg [dreg:$0x1];
	p0 =	sne.s32 s2, $0x0  }
0xdf: {  	s3 =	rddreg [dreg:$0x2];
	[bflag:$0x3] =	sbarrier.arrive $0xFFFF;
	s2 =	simm.s32 @!p0 $0x1C02  }
0xe0: {  	[timem:s3], [sflag:s2] =	dma.local @!p0 [hbm:s0], s1  }
0xe1: {  	s0 =	simm.s32 @!p0 $0x2  }
0xe2: {  	_ =	swait.ge @!p0 [sflag:s0], s1  }
0xe3: {  	s1 =	ssub.s32 @!p0 $0x0, s1;
	[sflag:s0] =	ssyncset.done @!p0 $0x0  }
0xe4: {  	[sflag:s0] =	ssyncadd.s32 @!p0 s1  }
0xe5: {  	[bflag:$0x3] =	sbarrier.arrive $0xFFFF  }
0xe6: {  	_ =	shalt  }

// kernel: kernel.9.cloned.1.call-start
scs
__scs_entry_jumppad:
0x0: {  	(pc) =	sbr.rel $0x88, $3  }
0x1: {  	(tag) =	ssettag $0x0;
	lr =	simm.s32 $0x1  }
0x2: {  	[smem:$0x3F9A] =	sst lr;
	_ =	strace $0xD0000000  }
0x3: {  	_ = 	snop  }
0x4: {  	_ = 	snop  }
0x5: {  	_ = 	snop  }
0x6: {  	_ = 	snop  }
0x7: {  	_ = 	snop  }
__scs_overlays_trampoline_lowered:
0x8: {  	[smem:$0x3FA9] =	sst s0  }
0x9: {  	[smem:$0x3FAA] =	sst s1  }
0xa: {  	[smem:$0x3FAB] =	sst s2  }
0xb: {  	[smem:$0x3FAC] =	sst s3  }
0xc: {  	[smem:$0x3FAD] =	sst s4  }
0xd: {  	[smem:$0x3FAE] =	sst s5  }
0xe: {  	[smem:$0x3FAF] =	sst s6  }
0xf: {  	[smem:$0x3FB0] =	sst s7  }
0x10: {  	[smem:$0x3FB1] =	sst s8  }
0x11: {  	[smem:$0x3FB2] =	sst s9;
	s0 =	simm.s32 @!p0 $0x0  }
0x12: {  	s1 =	sld [smem:$0x3F98];
	s0 =	simm.s32 @p0 $0x1  }
0x13: {  	[smem:$0x3FB3] =	sst s0;
	s0 =	simm.s32 @!p1 $0x0  }
0x14: {  	s2 =	sld [smem:$0x3F97];
	s0 =	simm.s32 @p1 $0x1  }
0x15: {  	[smem:$0x3FB4] =	sst s0;
	s0 =	simm.s32 @!p2 $0x0  }
0x16: {  	s3 =	sld [smem:$0x3FDB];
	s0 =	simm.s32 @p2 $0x1  }
0x17: {  	s4 =	simm.s32 $0x1BF5;
	[smem:$0x3FB6] =	sst s0  }
0x18: {  	s0 =	sld [smem:$0x3F99];
	_ =	swait.ge [sflag:s4], $0x0  }
0x19: {  	s7 =	sld [smem:$0x3F9A]  }
0x1a: {  	s8 =	sadd.s32 $0xFFFFE003, lr  }
0x1b: {  	s9 =	sadd.s32 $0xFFFFFEF7, lr;
	s5 =	simm.s32 $0xFFFFFFFF;
	p2 =	slt.u32 s8, $0xFFFFF086  }
0x1c: {  	p1 =	slt.u32 s9, $0xF7A;
	s5 =	simm.s32 @!p2 $0x0  }
0x1d: {  	s5 =	simm.s32 @p1 $0x1;
	p0 =	seq.s32 s7, s2  }
0x1e: {  	s7 =	smul.u32 @!p0 $0xF7A, s2;
	p2 =	seq.s32 @!p0 s5, $0x0  }
0x1f: {  	s9 =	smul.u32 $0xF7A, s1;
	s8 =	simm.s32 @!p0 $0x1BF5;
	p2 =	por !p2, p0  }
0x20: {  	[sflag:s8] =	ssyncset.s32 @!p0 $0xFFFFF086;
	s6 =	sadd.s32 @!p0 s3, s7;
	s7 =	simm.s32 @!p0 $0x108  }
0x21: {  	s3 =	sadd.s32 s3, s9;
	s6 =	sadd.s32 @!p0 $0x88, s6;
	s7 =	simm.s32 @p2 $0x1082  }
0x22: {  	[simem:s7], [sflag:s8] =	dma.local @!p0 [hbm:s6], $0xF7A  }
0x23: {  	s9 =	sor.u32 $0xD0000000, s2;
	s6 =	simm.s32 $0x108;
	_ =	swait.ge @!p0 [sflag:s8], $0x0  }
0x24: {  	s3 =	sadd.s32 $0x88, s3;
	s6 =	simm.s32 @!p1 $0x1082;
	[sflag:s4] =	ssyncset.s32 $0xFFFFF086  }
0x25: {  	[simem:s6], [sflag:s4] =	dma.local [hbm:s3], $0xF7A  }
0x26: {  	[smem:$0x3F9A] =	sst s1;
	(tag) =	ssettag s2;
	_ =	strace s9  }
0x27: {  	s1 =	sld [smem:$0x3FAA]  }
0x28: {  	s2 =	sld [smem:$0x3FAB]  }
0x29: {  	s4 =	sld [smem:$0x3FAD]  }
0x2a: {  	p0 =	seq.s32 s5, $0x0;
	s5 =	sld [smem:$0x3FAE]  }
0x2b: {  	s6 =	sld [smem:$0x3FAF]  }
0x2c: {  	s7 =	sld [smem:$0x3FB0]  }
0x2d: {  	s3 =	simm.s32 $0x108;
	s8 =	sld [smem:$0x3FB1]  }
0x2e: {  	s3 =	simm.s32 @!p0 $0x1082;
	s9 =	sld [smem:$0x3FB2]  }
0x2f: {  	lr =	sadd.s32 s0, s3;
	s0 =	sld [smem:$0x3FA9]  }
0x30: {  	s3 =	sld [smem:$0x3FAC]  }
0x31: {  	[smem:$0x3FB5] =	sst s10  }
0x32: {  	s10 =	sld [smem:$0x3FB3];
	_ =	sdelay $0x3  }
0x33: {  	p0 =	seq.s32 s10, $0x1;
	s10 =	sld [smem:$0x3FB5];
	_ =	sdelay $0x3  }
0x34: {  	[smem:$0x3FB5] =	sst s10  }
0x35: {  	s10 =	sld [smem:$0x3FB4];
	_ =	sdelay $0x3  }
0x36: {  	p1 =	seq.s32 s10, $0x1;
	s10 =	sld [smem:$0x3FB5];
	_ =	sdelay $0x3  }
0x37: {  	[smem:$0x3FB5] =	sst s10  }
0x38: {  	s10 =	sld [smem:$0x3FB6]  }
0x39: {  	_ = 	snop;
	(pc) =	sbr.ind lr, $3  }
0x3a: {  	_ = 	snop  }
0x3b: {  	_ = 	snop  }
0x3c: {  	p2 =	seq.s32 s10, $0x1;
	s10 =	sld [smem:$0x3FB5]  }
0x3d: {  	_ =	shalt  }
0x3e: {  	_ =	shalt  }
0x3f: {  	_ =	shalt  }
0x40: {  	_ =	shalt  }
0x41: {  	_ =	shalt  }
0x42: {  	_ =	shalt  }
0x43: {  	_ =	shalt  }
0x44: {  	_ =	shalt  }
0x45: {  	_ =	shalt  }
0x46: {  	_ =	shalt  }
0x47: {  	_ =	shalt  }
0x48: {  	_ =	shalt  }
0x49: {  	_ =	shalt  }
0x4a: {  	_ =	shalt  }
0x4b: {  	_ =	shalt  }
0x4c: {  	_ =	shalt  }
0x4d: {  	_ =	shalt  }
0x4e: {  	_ =	shalt  }
0x4f: {  	_ =	shalt  }
0x50: {  	_ =	shalt  }
0x51: {  	_ =	shalt  }
0x52: {  	_ =	shalt  }
0x53: {  	_ =	shalt  }
0x54: {  	_ =	shalt  }
0x55: {  	_ =	shalt  }
0x56: {  	_ =	shalt  }
0x57: {  	_ =	shalt  }
0x58: {  	_ =	shalt  }
0x59: {  	_ =	shalt  }
0x5a: {  	_ =	shalt  }
0x5b: {  	_ =	shalt  }
0x5c: {  	_ =	shalt  }
0x5d: {  	_ =	shalt  }
0x5e: {  	_ =	shalt  }
0x5f: {  	_ =	shalt  }
0x60: {  	_ =	shalt  }
0x61: {  	_ =	shalt  }
0x62: {  	_ =	shalt  }
0x63: {  	_ =	shalt  }
0x64: {  	_ =	shalt  }
0x65: {  	_ =	shalt  }
0x66: {  	_ =	shalt  }
0x67: {  	_ =	shalt  }
0x68: {  	_ =	shalt  }
0x69: {  	_ =	shalt  }
0x6a: {  	_ =	shalt  }
0x6b: {  	_ =	shalt  }
0x6c: {  	_ =	shalt  }
0x6d: {  	_ =	shalt  }
0x6e: {  	_ =	shalt  }
0x6f: {  	_ =	shalt  }
0x70: {  	_ =	shalt  }
0x71: {  	_ =	shalt  }
0x72: {  	_ =	shalt  }
0x73: {  	_ =	shalt  }
0x74: {  	_ =	shalt  }
0x75: {  	_ =	shalt  }
0x76: {  	_ =	shalt  }
0x77: {  	_ =	shalt  }
0x78: {  	_ =	shalt  }
0x79: {  	_ =	shalt  }
0x7a: {  	_ =	shalt  }
0x7b: {  	_ =	shalt  }
0x7c: {  	_ =	shalt  }
0x7d: {  	_ =	shalt  }
0x7e: {  	_ =	shalt  }
0x7f: {  	_ =	shalt  }
0x80: {  	_ =	shalt  }
0x81: {  	_ =	shalt  }
0x82: {  	_ =	shalt  }
0x83: {  	_ =	shalt  }
0x84: {  	_ =	shalt  }
0x85: {  	_ =	shalt  }
0x86: {  	_ =	shalt  }
0x87: {  	_ =	shalt  }
.Lfunc_end0:
.L_simem_size_0:
called_computation.1_lowered:
.L_overlay_start_0:
0x88: {  	s2 =	sld [smem:$0x3FD9]  }
0x89: {  	s3 =	sld [smem:$0x3FFE];
	_ =	sdelay $0x1  }
0x8a: {  	s1 =	srdreg.scid  }
0x8b: {  	s0 =	sand.u32 $0x1, s1  }
0x8c: {  	s17 =	sshll.u32 s0, $0xA;
	s2 =	sadd.s32 s3, s2  }
0x8d: {  	s2 =	sadd.s32 s2, s17  }
0x8e: {  	[smem:$0x3FC1] =	sst s2  }
0x8f: {  	_ = 	snop  }
0x90: {  	s2 =	sld [smem:$0x3FD0];
	(tm) =	ssettm $0x1  }
0x91: {  	s18 =	sld [smem:$0x3FFB];
	_ =	sdelay $0x3  }
0x92: {  	_ =	strace s18  }
0x93: {  	s3 =	sld [smem:$0x3FFC];
	_ =	sdelay $0x3  }
0x94: {  	_ =	strace s3  }
0x95: {  	s3 =	sld [smem:$0x3FFD];
	_ =	sdelay $0x3  }
0x96: {  	_ =	strace s3  }
0x97: {  	_ =	strace $0x8FFFFFFF  }
0x98: {  	s19 =	sld [smem:$0x3FDB];
	_ =	sdelay $0x1  }
0x99: {  	s4 =	simm.s32 $_scs_section_size  }
0x9a: {  	s5 =	simm.s32 $_size__tile_overlayer_lowered;
	s6 =	simm.s32 $_tile_overlayer_lowered  }
0x9b: {  	s22 =	simm.s32 $0x1BFF;
	s21 =	sshll.u32 s6, $0x1;
	s3 =	sadd.s32 s4, s19  }
0x9c: {  	s7 =	simm.s32 $0x0;
	s20 =	sshll.u32 s5, $0x1;
	s5 =	sadd.s32 s21, s3  }
0x9d: {  	[timem:s7], [sflag:s22] =	dma.local [hbm:s5], s20  }
0x9e: {  	_ =	swait.ge [sflag:s22], s20  }
0x9f: {  	s4 =	ssub.s32 $0x0, s20;
	[sflag:s22] =	ssyncset.done $0x0  }
0xa0: {  	[sflag:s22] =	ssyncadd.s32 s4;
	_ =	sdelay $0x1  }
0xa1: {  	s23 =	simm.s32 $0x1B8B  }
0xa2: {  	_ =	swait.ge [sflag:s23], $0x1  }
0xa3: {  	[sflag:s23] =	ssyncset.done $0x0  }
0xa4: {  	s25 =	simm.s32 $0x1B8E;
	s24 =	sld [smem:$0x3FFE];
	[sflag:s23] =	ssyncadd.s32 $0xFFFFFFFF  }
0xa5: {  	s26 =	simm.s32 $execute0_lowered;
	[smem:$0x3FD2] =	sst s25  }
0xa6: {  	s5 =	sshll.u32 s26, $0x1;
	_ =	strace $0x80000049;
	[dreg:$0x1] =	wrdreg $0xFFFFFFFF  }
0xa7: {  	s28 =	simm.s32 $_size_execute0_lowered;
	s3 =	sadd.s32 s3, s5;
	[dreg:$0x0] =	wrdreg $0x0  }
0xa8: {  	s5 =	sshll.u32 s28, $0x1;
	[dreg:$0x2] =	wrdreg s3  }
0xa9: {  	[dreg:$0x3] =	wrdreg s5  }
0xaa: {  	[dreg:$0x4] =	wrdreg $0xC0  }
0xab: {  	_ =	task [dreg:s7], $0x5FFFF  }
0xac: {  	[dreg:$0x1] =	wrdreg $0xFFFFFFFF  }
0xad: {  	[dreg:$0x0] =	wrdreg $0x60  }
0xae: {  	[dreg:$0x2] =	wrdreg s24  }
0xaf: {  	[dreg:$0x3] =	wrdreg s2  }
0xb0: {  	[dreg:$0x4] =	wrdreg $0x9  }
0xb1: {  	_ =	task.clear_ibuf [dreg:s7], $0x5FFFF;
	_ =	strace $0x90000049  }
0xb2: {  	s29 =	simm.s32 $0x9;
	_ =	strace $0x8000004B  }
0xb3: {  	_ =	swait.ge [sflag:s29], $0x1  }
0xb4: {  	[sflag:s29] =	ssyncadd.s32 $0xFFFFFFFF  }
0xb5: {  	_ =	strace $0x9000004B  }
0xb6: {  	_ =	sfence  }
0xb7: {  	s30 =	sld [smem:$0x0];
	_ =	sdelay $0x2  }
0xb8: {  	s31 =	sshll.u32 s1, $0xD;
	s1 =	sshrl.u32 s1, $0x2  }
0xb9: {  	s3 =	sand.u32 $0x4000, s31;
	s1 =	sadd.s32 s1, s30  }
0xba: {  	s0 =	sor.u32 s3, s0;
	s1 =	sshll.u32 s1, $0x11  }
0xbb: {  	s0 =	sor.u32 s1, s0  }
0xbc: {  	s0 =	sadd.s32 $0x8F2B, s0  }
0xbd: {  	[sflag:s0] =	ssyncadd.remote.s32 $0x1  }
0xbe: {  	_ =	sfence.sel $0xFFFF  }
0xbf: {  	[dreg:$0x0] =	wrdreg $0xFFFFFFFF;
	(pc) =	sbr.abs _section_cstart, $3  }
0xc0: {  	[dreg:$0x1] =	wrdreg $0xFFFFFFFF  }
0xc1: {  	_ =	task.clear_ibuf [dreg:s7], $0x2FFFF;
	_ =	strace $0x9FFFFFFF  }
0xc2: {  	(tm) =	ssettm $0x7FFFFFFF  }
0xc3: {  	_ =	shalt  }
tec
execute0_lowered:
.L_overlay_start_1:
0x0: {  	(tag) =	ssettag $0x1  }
0x1: {  	s0 =	rddreg [dreg:$0x0]  }
0x2: {  	s1 =	rddreg [dreg:$0x1]  }
0x3: {  	s3 =	srdreg.scid;
	s2 =	simm.s32 $0x0;
	s5 =	stileid.u32  }
0x4: {  	s11 =	simm.s32 $0x1;
	s12 =	simm.s32 $0x100;
	s25 =	simm.s32 $0x11100  }
0x5: {  	s26 =	simm.s32 $0x11900;
	s28 =	simm.s32 $0x12100;
	s29 =	simm.s32 $0x12900  }
0x6: {  	s30 =	simm.s32 $0x13100;
	s31 =	simm.s32 $0x13900;
	s13 =	simm.s32 $0x15900  }
0x7: {  	s14 =	simm.s32 $0x16100;
	s15 =	simm.s32 $0x16900;
	s16 =	simm.s32 $0x17100  }
0x8: {  	s17 =	simm.s32 $0x17900;
	s18 =	simm.s32 $0x2;
	s19 =	simm.s32 $0x0  }
0x9: {  	s3 =	sand.u32 $0x1, s3;
	[smem:$0x7FF] =	sst s2;
	s5 =	sshll.u32 s5, $0x3  }
0xa: {  	s4 =	sshll.u32 s3, $0x7;
	_ =	strace $0x8000004A;
	s7 =	ssub.s32 $0x2, s3  }
0xb: {  	s3 =	sadd.s32 $0x311400, s0;
	s6 =	sor.u32 s5, s4;
	s8 =	sshrl.u32 s7, $0x1  }
0xc: {  	s5 =	sadd.s32 s6, s0;
	s9 =	smul.u32 $0x300, s6;
	s6 =	sadd.s32 $0x311500, s0  }
0xd: {  	v2 =	vlaneseq.u32;
	s10 =	ssub.s32 s7, s8;
	s7 =	sadd.s32 $0x311600, s0;
	s0 =	simm.s32 $0x14100  }
0xe: {  	vm0 =	vmmov $0xffff;
	v1 =	vshrl.u32 v2, $0x3;
	s4 =	sadd.s32 $0x11000, s5;
	s5 =	sadd.s32 $0x11200, s5;
	s8 =	sadd.s32 s1, s9  }
0xf: {  	v0 =	vand.u32 $0x7, v2;
	v2 =	vor.u32 $0x8, v2;
	v1 =	vmul.u32 $0x8, v1;
	s9 =	smax.u32 s10, $0x1;
	s1 =	simm.s32 $0x14900;
	s10 =	simm.s32 $0x15100  }
.LBB2_1:
0x10: {  	[tilespmem:s2], [sflag:$0x1] =	stream.linear.gather [hbm4b:s4+s2], $0x40, $0x38;
	[tilespmem:$0x18100] =	vst v63  }
0x11: {  	s20 =	simm.s32 $0x80  }
0x12: {  	[tilespmem:s20], [sflag:$0x1] =	stream.linear.gather [hbm4b:s5+s2], $0x40, $0x38;
	[tilespmem:$0x18100] =	vst v63  }
0x13: {  	_ =	swait.ge [sflag:s11], $0x40  }
0x14: {  	[sflag:s11] =	ssyncset.done $0x0  }
0x15: {  	[sflag:s11] =	ssyncadd.s32 $0xFFFFFFC0  }
0x16: {  	_ =	swait.ge [sflag:s11], $0x40  }
0x17: {  	[sflag:s11] =	ssyncset.done $0x0  }
0x18: {  	[sflag:s11] =	ssyncadd.s32 $0xFFFFFFC0  }
0x19: {  	v3 =	vld [tilespmem:$0x0];
	_ =	sdelay $0x4  }
0x1a: {  	v4 =	vshrl.u32 v3, $0x3  }
0x1b: {  	v4 =	vmul.u32 $0x30, v4  }
0x1c: {  	v3 =	vand.u32 $0x7, v3  }
0x1d: {  	v3 =	vor.u32 v3, v4  }
0x1e: {  	v4 =	vperm.xlane v3, v0;
	_ =	sdelay $0x1  }
0x1f: {  	v4 =	vadd.s32 v1, v4;
	_ =	sdelay $0x3  }
0x20: {  	v3 =	vperm.xlane v3, v2  }
0x21: {  	[tilespmem:s12], [sflag:$0x1] =	stream.indirect_vreg.gather [hbm4b:s3+s2], $0x80, v4, vm0, $0xb8;
	[tilespmem:$0x18100] =	vst v63  }
0x22: {  	s23 =	simm.s32 $0x900;
	v3 =	vadd.s32 v1, v3  }
0x23: {  	[tilespmem:s23], [sflag:$0x1] =	stream.indirect_vreg.gather [hbm4b:s6+s2], $0x80, v4, vm0, $0xb8;
	[tilespmem:$0x18100] =	vst v63  }
0x24: {  	s24 =	simm.s32 $0x1100  }
0x25: {  	[tilespmem:s24], [sflag:$0x1] =	stream.indirect_vreg.gather [hbm4b:s7+s2], $0x80, v4, vm0, $0xb8;
	[tilespmem:$0x18100] =	vst v63  }
0x26: {  	s21 =	simm.s32 $0x1900  }
0x27: {  	[tilespmem:s21], [sflag:$0x1] =	stream.indirect_vreg.gather [hbm4b:s3+s2], $0x80, v3, vm0, $0xb8;
	[tilespmem:$0x18100] =	vst v63  }
0x28: {  	s22 =	simm.s32 $0x2100  }
0x29: {  	[tilespmem:s22], [sflag:$0x1] =	stream.indirect_vreg.gather [hbm4b:s6+s2], $0x80, v3, vm0, $0xb8;
	[tilespmem:$0x18100] =	vst v63  }
0x2a: {  	s23 =	simm.s32 $0x2900  }
0x2b: {  	[tilespmem:s23], [sflag:$0x1] =	stream.indirect_vreg.gather [hbm4b:s7+s2], $0x80, v3, vm0, $0xb8;
	[tilespmem:$0x18100] =	vst v63  }
0x2c: {  	v3 =	vld [tilespmem:$0x10];
	_ =	sdelay $0x4  }
0x2d: {  	v4 =	vshrl.u32 v3, $0x3  }
0x2e: {  	v4 =	vmul.u32 $0x30, v4  }
0x2f: {  	v3 =	vand.u32 $0x7, v3  }
0x30: {  	v3 =	vor.u32 v3, v4  }
0x31: {  	v4 =	vperm.xlane v3, v0;
	_ =	sdelay $0x1  }
0x32: {  	v4 =	vadd.s32 v1, v4;
	_ =	sdelay $0x3  }
0x33: {  	s24 =	simm.s32 $0x3100;
	v3 =	vperm.xlane v3, v2  }
0x34: {  	[tilespmem:s24], [sflag:$0x1] =	stream.indirect_vreg.gather [hbm4b:s3+s2], $0x80, v4, vm0, $0xb8;
	[tilespmem:$0x18100] =	vst v63  }
0x35: {  	s21 =	simm.s32 $0x3900;
	v3 =	vadd.s32 v1, v3  }
0x36: {  	[tilespmem:s21], [sflag:$0x1] =	stream.indirect_vreg.gather [hbm4b:s6+s2], $0x80, v4, vm0, $0xb8;
	[tilespmem:$0x18100] =	vst v63  }
0x37: {  	s22 =	simm.s32 $0x4100  }
0x38: {  	[tilespmem:s22], [sflag:$0x1] =	stream.indirect_vreg.gather [hbm4b:s7+s2], $0x80, v4, vm0, $0xb8;
	[tilespmem:$0x18100] =	vst v63  }
0x39: {  	s23 =	simm.s32 $0x4900  }
0x3a: {  	[tilespmem:s23], [sflag:$0x1] =	stream.indirect_vreg.gather [hbm4b:s3+s2], $0x80, v3, vm0, $0xb8;
	[tilespmem:$0x18100] =	vst v63  }
0x3b: {  	s24 =	simm.s32 $0x5100  }
0x3c: {  	[tilespmem:s24], [sflag:$0x1] =	stream.indirect_vreg.gather [hbm4b:s6+s2], $0x80, v3, vm0, $0xb8;
	[tilespmem:$0x18100] =	vst v63  }
0x3d: {  	s21 =	simm.s32 $0x5900  }
0x3e: {  	[tilespmem:s21], [sflag:$0x1] =	stream.indirect_vreg.gather [hbm4b:s7+s2], $0x80, v3, vm0, $0xb8;
	[tilespmem:$0x18100] =	vst v63  }
0x3f: {  	v3 =	vld [tilespmem:$0x20];
	_ =	sdelay $0x4  }
0x40: {  	v4 =	vshrl.u32 v3, $0x3  }
0x41: {  	v4 =	vmul.u32 $0x30, v4  }
0x42: {  	v3 =	vand.u32 $0x7, v3  }
0x43: {  	v3 =	vor.u32 v3, v4  }
0x44: {  	v4 =	vperm.xlane v3, v0;
	_ =	sdelay $0x1  }
0x45: {  	v4 =	vadd.s32 v1, v4;
	_ =	sdelay $0x3  }
0x46: {  	s22 =	simm.s32 $0x6100;
	v3 =	vperm.xlane v3, v2  }
0x47: {  	[tilespmem:s22], [sflag:$0x1] =	stream.indirect_vreg.gather [hbm4b:s3+s2], $0x80, v4, vm0, $0xb8;
	[tilespmem:$0x18100] =	vst v63  }
0x48: {  	s23 =	simm.s32 $0x6900;
	v3 =	vadd.s32 v1, v3  }
0x49: {  	[tilespmem:s23], [sflag:$0x1] =	stream.indirect_vreg.gather [hbm4b:s6+s2], $0x80, v4, vm0, $0xb8;
	[tilespmem:$0x18100] =	vst v63  }
0x4a: {  	s24 =	simm.s32 $0x7100  }
0x4b: {  	[tilespmem:s24], [sflag:$0x1] =	stream.indirect_vreg.gather [hbm4b:s7+s2], $0x80, v4, vm0, $0xb8;
	[tilespmem:$0x18100] =	vst v63  }
0x4c: {  	s21 =	simm.s32 $0x7900  }
0x4d: {  	[tilespmem:s21], [sflag:$0x1] =	stream.indirect_vreg.gather [hbm4b:s3+s2], $0x80, v3, vm0, $0xb8;
	[tilespmem:$0x18100] =	vst v63  }
0x4e: {  	s22 =	simm.s32 $0x8100  }
0x4f: {  	[tilespmem:s22], [sflag:$0x1] =	stream.indirect_vreg.gather [hbm4b:s6+s2], $0x80, v3, vm0, $0xb8;
	[tilespmem:$0x18100] =	vst v63  }
0x50: {  	s23 =	simm.s32 $0x8900  }
0x51: {  	[tilespmem:s23], [sflag:$0x1] =	stream.indirect_vreg.gather [hbm4b:s7+s2], $0x80, v3, vm0, $0xb8;
	[tilespmem:$0x18100] =	vst v63  }
0x52: {  	v3 =	vld [tilespmem:$0x30];
	_ =	sdelay $0x4  }
0x53: {  	v4 =	vshrl.u32 v3, $0x3  }
0x54: {  	v4 =	vmul.u32 $0x30, v4  }
0x55: {  	v3 =	vand.u32 $0x7, v3  }
0x56: {  	v3 =	vor.u32 v3, v4  }
0x57: {  	v4 =	vperm.xlane v3, v0;
	_ =	sdelay $0x1  }
0x58: {  	v4 =	vadd.s32 v1, v4;
	_ =	sdelay $0x3  }
0x59: {  	s24 =	simm.s32 $0x9100;
	v3 =	vperm.xlane v3, v2  }
0x5a: {  	[tilespmem:s24], [sflag:$0x1] =	stream.indirect_vreg.gather [hbm4b:s3+s2], $0x80, v4, vm0, $0xb8;
	[tilespmem:$0x18100] =	vst v63  }
0x5b: {  	s21 =	simm.s32 $0x9900;
	v3 =	vadd.s32 v1, v3  }
0x5c: {  	[tilespmem:s21], [sflag:$0x1] =	stream.indirect_vreg.gather [hbm4b:s6+s2], $0x80, v4, vm0, $0xb8;
	[tilespmem:$0x18100] =	vst v63  }
0x5d: {  	s22 =	simm.s32 $0xA100  }
0x5e: {  	[tilespmem:s22], [sflag:$0x1] =	stream.indirect_vreg.gather [hbm4b:s7+s2], $0x80, v4, vm0, $0xb8;
	[tilespmem:$0x18100] =	vst v63  }
0x5f: {  	s23 =	simm.s32 $0xA900  }
0x60: {  	[tilespmem:s23], [sflag:$0x1] =	stream.indirect_vreg.gather [hbm4b:s3+s2], $0x80, v3, vm0, $0xb8;
	[tilespmem:$0x18100] =	vst v63  }
0x61: {  	s24 =	simm.s32 $0xB100  }
0x62: {  	[tilespmem:s24], [sflag:$0x1] =	stream.indirect_vreg.gather [hbm4b:s6+s2], $0x80, v3, vm0, $0xb8;
	[tilespmem:$0x18100] =	vst v63  }
0x63: {  	s21 =	simm.s32 $0xB900  }
0x64: {  	[tilespmem:s21], [sflag:$0x1] =	stream.indirect_vreg.gather [hbm4b:s7+s2], $0x80, v3, vm0, $0xb8;
	[tilespmem:$0x18100] =	vst v63  }
0x65: {  	v3 =	vld [tilespmem:$0x80];
	_ =	sdelay $0x4  }
0x66: {  	v4 =	vshrl.u32 v3, $0x3  }
0x67: {  	v4 =	vmul.u32 $0x30, v4  }
0x68: {  	v3 =	vand.u32 $0x7, v3  }
0x69: {  	v3 =	vor.u32 v3, v4  }
0x6a: {  	v4 =	vperm.xlane v3, v0;
	_ =	sdelay $0x1  }
0x6b: {  	v4 =	vadd.s32 v1, v4;
	_ =	sdelay $0x3  }
0x6c: {  	s22 =	simm.s32 $0xC100;
	v3 =	vperm.xlane v3, v2  }
0x6d: {  	[tilespmem:s22], [sflag:$0x1] =	stream.indirect_vreg.gather [hbm4b:s3+s2], $0x80, v4, vm0, $0xb8;
	[tilespmem:$0x18100] =	vst v63  }
0x6e: {  	s23 =	simm.s32 $0xC900;
	v3 =	vadd.s32 v1, v3  }
0x6f: {  	[tilespmem:s23], [sflag:$0x1] =	stream.indirect_vreg.gather [hbm4b:s6+s2], $0x80, v4, vm0, $0xb8;
	[tilespmem:$0x18100] =	vst v63  }
0x70: {  	s24 =	simm.s32 $0xD100  }
0x71: {  	[tilespmem:s24], [sflag:$0x1] =	stream.indirect_vreg.gather [hbm4b:s7+s2], $0x80, v4, vm0, $0xb8;
	[tilespmem:$0x18100] =	vst v63  }
0x72: {  	s21 =	simm.s32 $0xD900  }
0x73: {  	[tilespmem:s21], [sflag:$0x1] =	stream.indirect_vreg.gather [hbm4b:s3+s2], $0x80, v3, vm0, $0xb8;
	[tilespmem:$0x18100] =	vst v63  }
0x74: {  	s22 =	simm.s32 $0xE100  }
0x75: {  	[tilespmem:s22], [sflag:$0x1] =	stream.indirect_vreg.gather [hbm4b:s6+s2], $0x80, v3, vm0, $0xb8;
	[tilespmem:$0x18100] =	vst v63  }
0x76: {  	s23 =	simm.s32 $0xE900  }
0x77: {  	[tilespmem:s23], [sflag:$0x1] =	stream.indirect_vreg.gather [hbm4b:s7+s2], $0x80, v3, vm0, $0xb8;
	[tilespmem:$0x18100] =	vst v63  }
0x78: {  	v3 =	vld [tilespmem:$0x90];
	_ =	sdelay $0x4  }
0x79: {  	v4 =	vshrl.u32 v3, $0x3  }
0x7a: {  	v4 =	vmul.u32 $0x30, v4  }
0x7b: {  	v3 =	vand.u32 $0x7, v3  }
0x7c: {  	v3 =	vor.u32 v3, v4  }
0x7d: {  	v4 =	vperm.xlane v3, v0;
	_ =	sdelay $0x1  }
0x7e: {  	v4 =	vadd.s32 v1, v4;
	_ =	sdelay $0x3  }
0x7f: {  	s24 =	simm.s32 $0xF100;
	v3 =	vperm.xlane v3, v2  }
0x80: {  	[tilespmem:s24], [sflag:$0x1] =	stream.indirect_vreg.gather [hbm4b:s3+s2], $0x80, v4, vm0, $0xb8;
	[tilespmem:$0x18100] =	vst v63  }
0x81: {  	s21 =	simm.s32 $0xF900;
	v3 =	vadd.s32 v1, v3  }
0x82: {  	[tilespmem:s21], [sflag:$0x1] =	stream.indirect_vreg.gather [hbm4b:s6+s2], $0x80, v4, vm0, $0xb8;
	[tilespmem:$0x18100] =	vst v63  }
0x83: {  	s22 =	simm.s32 $0x10100  }
0x84: {  	[tilespmem:s22], [sflag:$0x1] =	stream.indirect_vreg.gather [hbm4b:s7+s2], $0x80, v4, vm0, $0xb8;
	[tilespmem:$0x18100] =	vst v63  }
0x85: {  	s23 =	simm.s32 $0x10900  }
0x86: {  	[tilespmem:s23], [sflag:$0x1] =	stream.indirect_vreg.gather [hbm4b:s3+s2], $0x80, v3, vm0, $0xb8;
	[tilespmem:$0x18100] =	vst v63  }
0x87: {  	_ = 	snop  }
0x88: {  	[tilespmem:s25], [sflag:$0x1] =	stream.indirect_vreg.gather [hbm4b:s6+s2], $0x80, v3, vm0, $0xb8;
	[tilespmem:$0x18100] =	vst v63  }
0x89: {  	_ = 	snop  }
0x8a: {  	[tilespmem:s26], [sflag:$0x1] =	stream.indirect_vreg.gather [hbm4b:s7+s2], $0x80, v3, vm0, $0xb8;
	[tilespmem:$0x18100] =	vst v63  }
0x8b: {  	v3 =	vld [tilespmem:$0xA0];
	_ =	sdelay $0x4  }
0x8c: {  	v4 =	vshrl.u32 v3, $0x3  }
0x8d: {  	v4 =	vmul.u32 $0x30, v4  }
0x8e: {  	v3 =	vand.u32 $0x7, v3  }
0x8f: {  	v3 =	vor.u32 v3, v4  }
0x90: {  	v4 =	vperm.xlane v3, v0;
	_ =	sdelay $0x1  }
0x91: {  	v4 =	vadd.s32 v1, v4;
	_ =	sdelay $0x3  }
0x92: {  	v3 =	vperm.xlane v3, v2  }
0x93: {  	[tilespmem:s28], [sflag:$0x1] =	stream.indirect_vreg.gather [hbm4b:s3+s2], $0x80, v4, vm0, $0xb8;
	[tilespmem:$0x18100] =	vst v63  }
0x94: {  	v3 =	vadd.s32 v1, v3  }
0x95: {  	[tilespmem:s29], [sflag:$0x1] =	stream.indirect_vreg.gather [hbm4b:s6+s2], $0x80, v4, vm0, $0xb8;
	[tilespmem:$0x18100] =	vst v63  }
0x96: {  	_ = 	snop  }
0x97: {  	[tilespmem:s30], [sflag:$0x1] =	stream.indirect_vreg.gather [hbm4b:s7+s2], $0x80, v4, vm0, $0xb8;
	[tilespmem:$0x18100] =	vst v63  }
0x98: {  	_ = 	snop  }
0x99: {  	[tilespmem:s31], [sflag:$0x1] =	stream.indirect_vreg.gather [hbm4b:s3+s2], $0x80, v3, vm0, $0xb8;
	[tilespmem:$0x18100] =	vst v63  }
0x9a: {  	_ = 	snop  }
0x9b: {  	[tilespmem:s0], [sflag:$0x1] =	stream.indirect_vreg.gather [hbm4b:s6+s2], $0x80, v3, vm0, $0xb8;
	[tilespmem:$0x18100] =	vst v63  }
0x9c: {  	_ = 	snop  }
0x9d: {  	[tilespmem:s1], [sflag:$0x1] =	stream.indirect_vreg.gather [hbm4b:s7+s2], $0x80, v3, vm0, $0xb8;
	[tilespmem:$0x18100] =	vst v63  }
0x9e: {  	v3 =	vld [tilespmem:$0xB0];
	_ =	sdelay $0x4  }
0x9f: {  	v4 =	vshrl.u32 v3, $0x3  }
0xa0: {  	v4 =	vmul.u32 $0x30, v4  }
0xa1: {  	v3 =	vand.u32 $0x7, v3  }
0xa2: {  	v3 =	vor.u32 v3, v4  }
0xa3: {  	v4 =	vperm.xlane v3, v0;
	_ =	sdelay $0x1  }
0xa4: {  	v4 =	vadd.s32 v1, v4;
	_ =	sdelay $0x3  }
0xa5: {  	v3 =	vperm.xlane v3, v2  }
0xa6: {  	[tilespmem:s10], [sflag:$0x1] =	stream.indirect_vreg.gather [hbm4b:s3+s2], $0x80, v4, vm0, $0xb8;
	[tilespmem:$0x18100] =	vst v63  }
0xa7: {  	v3 =	vadd.s32 v1, v3  }
0xa8: {  	[tilespmem:s13], [sflag:$0x1] =	stream.indirect_vreg.gather [hbm4b:s6+s2], $0x80, v4, vm0, $0xb8;
	[tilespmem:$0x18100] =	vst v63  }
0xa9: {  	_ = 	snop  }
0xaa: {  	[tilespmem:s14], [sflag:$0x1] =	stream.indirect_vreg.gather [hbm4b:s7+s2], $0x80, v4, vm0, $0xb8;
	[tilespmem:$0x18100] =	vst v63  }
0xab: {  	_ = 	snop  }
0xac: {  	[tilespmem:s15], [sflag:$0x1] =	stream.indirect_vreg.gather [hbm4b:s3+s2], $0x80, v3, vm0, $0xb8;
	[tilespmem:$0x18100] =	vst v63  }
0xad: {  	_ = 	snop  }
0xae: {  	[tilespmem:s16], [sflag:$0x1] =	stream.indirect_vreg.gather [hbm4b:s6+s2], $0x80, v3, vm0, $0xb8;
	[tilespmem:$0x18100] =	vst v63  }
0xaf: {  	_ = 	snop  }
0xb0: {  	[tilespmem:s17], [sflag:$0x1] =	stream.indirect_vreg.gather [hbm4b:s7+s2], $0x80, v3, vm0, $0xb8;
	[tilespmem:$0x18100] =	vst v63  }
0xb1: {  	_ =	swait.ge [sflag:s11], $0xC000  }
0xb2: {  	[sflag:s11] =	ssyncset.done $0x0  }
0xb3: {  	s24 =	simm.s32 $0x0;
	[sflag:s11] =	ssyncadd.s32 $0xFFFF4000  }
0xb4: {  	s20 =	smul.u32 $0x1800, s24;
	_ =	swait.ge [sflag:s11], $0xC000  }
0xb5: {  	s21 =	sand.u32 $0x380, s2;
	[sflag:s11] =	ssyncset.done $0x0  }
0xb6: {  	s20 =	sor.u32 s21, s20;
	[sflag:s11] =	ssyncadd.s32 $0xFFFF4000  }
0xb7: {  	v12 =	vld [tilespmem:s20+$0xC100]  }
0xb8: {  	v13 =	vld [tilespmem:s20+$0xC110]  }
0xb9: {  	v14 =	vld [tilespmem:s20+$0xC120]  }
0xba: {  	v15 =	vld [tilespmem:s20+$0xC130]  }
0xbb: {  	v16 =	vld [tilespmem:s20+$0xC140]  }
0xbc: {  	v17 =	vld [tilespmem:s20+$0xC150]  }
0xbd: {  	v18 =	vld [tilespmem:s20+$0xC160]  }
0xbe: {  	v19 =	vld [tilespmem:s20+$0xC170]  }
0xbf: {  	v20 =	vld [tilespmem:s20+$0xC500]  }
0xc0: {  	v21 =	vld [tilespmem:s20+$0xC510]  }
0xc1: {  	v22 =	vld [tilespmem:s20+$0xC520]  }
0xc2: {  	v23 =	vld [tilespmem:s20+$0xC530]  }
0xc3: {  	v24 =	vld [tilespmem:s20+$0xC540]  }
0xc4: {  	v25 =	vld [tilespmem:s20+$0xC550]  }
0xc5: {  	v26 =	vld [tilespmem:s20+$0xC560]  }
0xc6: {  	v27 =	vld [tilespmem:s20+$0xC570]  }
0xc7: {  	v28 =	vld [tilespmem:s20+$0xC900]  }
0xc8: {  	v29 =	vld [tilespmem:s20+$0xC910]  }
0xc9: {  	v30 =	vld [tilespmem:s20+$0xC920]  }
0xca: {  	v31 =	vld [tilespmem:s20+$0xC930]  }
0xcb: {  	v32 =	vld [tilespmem:s20+$0xC940]  }
0xcc: {  	v33 =	vld [tilespmem:s20+$0xC950]  }
0xcd: {  	v34 =	vld [tilespmem:s20+$0xC960]  }
0xce: {  	v35 =	vld [tilespmem:s20+$0xC970]  }
0xcf: {  	v36 =	vld [tilespmem:s20+$0xCD00]  }
0xd0: {  	v37 =	vld [tilespmem:s20+$0xCD10]  }
0xd1: {  	v38 =	vld [tilespmem:s20+$0xCD20]  }
0xd2: {  	v39 =	vld [tilespmem:s20+$0xCD30]  }
0xd3: {  	v40 =	vld [tilespmem:s20+$0xCD40]  }
0xd4: {  	v41 =	vld [tilespmem:s20+$0xCD50]  }
0xd5: {  	v42 =	vld [tilespmem:s20+$0xCD60]  }
0xd6: {  	v43 =	vld [tilespmem:s20+$0xCD70]  }
0xd7: {  	v44 =	vld [tilespmem:s20+$0xD100]  }
0xd8: {  	v45 =	vld [tilespmem:s20+$0xD110]  }
0xd9: {  	v46 =	vld [tilespmem:s20+$0xD120]  }
0xda: {  	v47 =	vld [tilespmem:s20+$0xD130]  }
0xdb: {  	v48 =	vld [tilespmem:s20+$0xD140]  }
0xdc: {  	v49 =	vld [tilespmem:s20+$0xD150]  }
0xdd: {  	v50 =	vld [tilespmem:s20+$0xD160]  }
0xde: {  	v11 =	vld [tilespmem:s20+$0xD170]  }
0xdf: {  	v10 =	vld [tilespmem:s20+$0xD500]  }
0xe0: {  	v9 =	vld [tilespmem:s20+$0xD510]  }
0xe1: {  	v8 =	vld [tilespmem:s20+$0xD520]  }
0xe2: {  	v7 =	vld [tilespmem:s20+$0xD530]  }
0xe3: {  	v6 =	vld [tilespmem:s20+$0xD540]  }
0xe4: {  	v51 =	vld [tilespmem:s20+$0x100]  }
0xe5: {  	v52 =	vld [tilespmem:s20+$0x110]  }
0xe6: {  	v53 =	vld [tilespmem:s20+$0x120]  }
0xe7: {  	v54 =	vld [tilespmem:s20+$0x130]  }
0xe8: {  	v55 =	vld [tilespmem:s20+$0x140]  }
0xe9: {  	v62 =	vld [tilespmem:s20+$0x150];
	v12 =	vadd.f32 v12, v51  }
0xea: {  	v63 =	vld [tilespmem:s20+$0x160];
	v13 =	vadd.f32 v13, v52  }
0xeb: {  	[tilespmem:s20+$0x100] =	vst v12;
	v12 =	vadd.f32 v14, v53;
	v14 =	vld [tilespmem:s20+$0x170]  }
0xec: {  	[tilespmem:s20+$0x110] =	vst v13;
	v13 =	vadd.f32 v15, v54;
	v15 =	vld [tilespmem:s20+$0x500]  }
0xed: {  	[tilespmem:s20+$0x120] =	vst v12;
	v12 =	vadd.f32 v16, v55;
	v16 =	vld [tilespmem:s20+$0x510]  }
0xee: {  	[tilespmem:s20+$0x130] =	vst v13;
	v13 =	vadd.f32 v17, v62;
	v17 =	vld [tilespmem:s20+$0x520]  }
0xef: {  	v5 =	vld [tilespmem:s20+$0xD550]  }
0xf0: {  	[tilespmem:s20+$0x140] =	vst v12;
	v12 =	vadd.f32 v18, v63;
	v18 =	vld [tilespmem:s20+$0x570]  }
0xf1: {  	[tilespmem:s20+$0x150] =	vst v13;
	v13 =	vadd.f32 v19, v14;
	v14 =	vld [tilespmem:s20+$0x530]  }
0xf2: {  	[tilespmem:s20+$0x160] =	vst v12;
	v12 =	vadd.f32 v20, v15;
	v15 =	vld [tilespmem:s20+$0x540]  }
0xf3: {  	[tilespmem:s20+$0x170] =	vst v13;
	v13 =	vadd.f32 v21, v16;
	v16 =	vadd.f32 v22, v17;
	v17 =	vld [tilespmem:s20+$0x560]  }
0xf4: {  	[tilespmem:s20+$0x500] =	vst v12;
	v12 =	vld [tilespmem:s20+$0x550]  }
0xf5: {  	[tilespmem:s20+$0x510] =	vst v13;
	v13 =	vld [tilespmem:s20+$0x900];
	v18 =	vadd.f32 v27, v18  }
0xf6: {  	[tilespmem:s20+$0x520] =	vst v16;
	v16 =	vld [tilespmem:s20+$0x910];
	v14 =	vadd.f32 v23, v14  }
0xf7: {  	v4 =	vld [tilespmem:s20+$0xD560];
	v15 =	vadd.f32 v24, v15;
	[tilespmem:s20+$0x570] =	vst v18  }
0xf8: {  	[tilespmem:s20+$0x530] =	vst v14;
	v14 =	vld [tilespmem:s20+$0x920];
	v17 =	vadd.f32 v26, v17  }
0xf9: {  	v12 =	vadd.f32 v25, v12;
	[tilespmem:s20+$0x540] =	vst v15;
	v15 =	vld [tilespmem:s20+$0x930]  }
0xfa: {  	v18 =	vld [tilespmem:s20+$0x970];
	[tilespmem:s20+$0x560] =	vst v17;
	v13 =	vadd.f32 v28, v13  }
0xfb: {  	v16 =	vadd.f32 v29, v16;
	[tilespmem:s20+$0x550] =	vst v12;
	v12 =	vld [tilespmem:s20+$0x940]  }
0xfc: {  	v17 =	vld [tilespmem:s20+$0x950];
	[tilespmem:s20+$0x900] =	vst v13  }
0xfd: {  	[tilespmem:s20+$0x910] =	vst v16;
	v16 =	vld [tilespmem:s20+$0x960];
	v13 =	vadd.f32 v30, v14  }
0xfe: {  	v14 =	vld [tilespmem:s20+$0xD00];
	v15 =	vadd.f32 v31, v15  }
0xff: {  	[tilespmem:s20+$0x920] =	vst v13;
	v13 =	vld [tilespmem:s20+$0xD10]  }
0x100: {  	v12 =	vadd.f32 v32, v12;
	[tilespmem:s20+$0x930] =	vst v15;
	v15 =	vld [tilespmem:s20+$0xD20]  }
0x101: {  	v3 =	vld [tilespmem:s20+$0xD570];
	v17 =	vadd.f32 v33, v17  }
0x102: {  	v16 =	vadd.f32 v34, v16;
	[tilespmem:s20+$0x940] =	vst v12;
	v12 =	vld [tilespmem:s20+$0xD30]  }
0x103: {  	[tilespmem:s20+$0x950] =	vst v17;
	v17 =	vld [tilespmem:s20+$0xD40];
	v14 =	vadd.f32 v36, v14  }
0x104: {  	v18 =	vadd.f32 v35, v18;
	[tilespmem:s20+$0x960] =	vst v16;
	v16 =	vld [tilespmem:s20+$0xD50]  }
0x105: {  	v13 =	vadd.f32 v37, v13;
	[tilespmem:s20+$0xD00] =	vst v14;
	v14 =	vadd.f32 v38, v15;
	v15 =	vld [tilespmem:s20+$0xD60]  }
0x106: {  	[tilespmem:s20+$0x970] =	vst v18;
	v18 =	vld [tilespmem:s20+$0xD70]  }
0x107: {  	[tilespmem:s20+$0xD10] =	vst v13;
	v13 =	vld [tilespmem:s20+$0x1100];
	v12 =	vadd.f32 v39, v12  }
0x108: {  	v17 =	vadd.f32 v40, v17;
	[tilespmem:s20+$0xD20] =	vst v14;
	v14 =	vld [tilespmem:s20+$0x1110]  }
0x109: {  	v16 =	vadd.f32 v41, v16;
	[tilespmem:s20+$0xD30] =	vst v12;
	v12 =	vld [tilespmem:s20+$0x1120]  }
0x10a: {  	[tilespmem:s20+$0xD40] =	vst v17;
	v17 =	vld [tilespmem:s20+$0x1130];
	v15 =	vadd.f32 v42, v15  }
0x10b: {  	v19 =	vld [tilespmem:s20+$0x1140];
	[tilespmem:s20+$0xD50] =	vst v16;
	v16 =	vadd.f32 v43, v18  }
0x10c: {  	v18 =	vld [tilespmem:s20+$0x1150];
	v13 =	vadd.f32 v44, v13;
	[tilespmem:s20+$0xD60] =	vst v15  }
0x10d: {  	v20 =	vld [tilespmem:s20+$0x1160];
	[tilespmem:s20+$0xD70] =	vst v16;
	v14 =	vadd.f32 v45, v14  }
0x10e: {  	v16 =	vld [tilespmem:s20+$0x1170];
	[tilespmem:s20+$0x1100] =	vst v13;
	v12 =	vadd.f32 v46, v12  }
0x10f: {  	v15 =	vld [tilespmem:s20+$0x1500];
	v13 =	vadd.f32 v47, v17;
	[tilespmem:s20+$0x1110] =	vst v14  }
0x110: {  	v14 =	vld [tilespmem:s20+$0x1510];
	[tilespmem:s20+$0x1120] =	vst v12;
	v12 =	vadd.f32 v48, v19  }
0x111: {  	[tilespmem:s20+$0x1130] =	vst v13;
	v13 =	vld [tilespmem:s20+$0x1520];
	v18 =	vadd.f32 v49, v18  }
0x112: {  	s21 =	simm.s32 $0x1;
	s22 =	simm.s32 $0x0;
	v17 =	vadd.f32 v50, v20;
	[tilespmem:s20+$0x1140] =	vst v12;
	v12 =	vld [tilespmem:s20+$0x1530]  }
.LBB2_2:
0x113: {  	s23 =	sshrl.u32 s21, $0x3;
	p0 =	sne.s32 s21, $0x3F;
	[tilespmem:s20+$0x1150] =	vst v18;
	v11 =	vadd.f32 v11, v16;
	v16 =	vld [tilespmem:s20+$0x1540]  }
0x114: {  	s22 =	sadd.s32 $0x80, s22;
	s23 =	smul.u32 $0x1800, s23;
	[tilespmem:s20+$0x1160] =	vst v17;
	v10 =	vadd.f32 v10, v15;
	v15 =	vld [tilespmem:s20+$0x1550]  }
0x115: {  	s24 =	sand.u32 $0x380, s22;
	[tilespmem:s20+$0x1170] =	vst v11;
	v9 =	vadd.f32 v9, v14;
	v11 =	vld [tilespmem:s20+$0x1560]  }
0x116: {  	s23 =	sor.u32 s24, s23;
	[tilespmem:s20+$0x1500] =	vst v10;
	v8 =	vadd.f32 v8, v13;
	v10 =	vld [tilespmem:s20+$0x1570]  }
0x117: {  	v39 =	vld [tilespmem:s23+$0xC100];
	[tilespmem:s20+$0x1510] =	vst v9;
	v7 =	vadd.f32 v7, v12  }
0x118: {  	v40 =	vld [tilespmem:s23+$0xC110];
	[tilespmem:s20+$0x1520] =	vst v8;
	v6 =	vadd.f32 v6, v16  }
0x119: {  	v41 =	vld [tilespmem:s23+$0xC120];
	[tilespmem:s20+$0x1530] =	vst v7;
	v5 =	vadd.f32 v5, v15  }
0x11a: {  	v42 =	vld [tilespmem:s23+$0xC130];
	[tilespmem:s20+$0x1540] =	vst v6;
	v4 =	vadd.f32 v4, v11  }
0x11b: {  	v43 =	vld [tilespmem:s23+$0xC140];
	[tilespmem:s20+$0x1550] =	vst v5;
	v3 =	vadd.f32 v3, v10  }
0x11c: {  	v44 =	vld [tilespmem:s23+$0xC150];
	[tilespmem:s20+$0x1560] =	vst v4  }
0x11d: {  	v45 =	vld [tilespmem:s23+$0xC160];
	[tilespmem:s20+$0x1570] =	vst v3;
	s20 =	smov.u32 s23  }
0x11e: {  	v46 =	vld [tilespmem:s20+$0xC170]  }
0x11f: {  	v47 =	vld [tilespmem:s20+$0xC500]  }
0x120: {  	v48 =	vld [tilespmem:s20+$0xC510]  }
0x121: {  	v49 =	vld [tilespmem:s20+$0xC520]  }
0x122: {  	v50 =	vld [tilespmem:s20+$0xC530]  }
0x123: {  	v38 =	vld [tilespmem:s20+$0xC540]  }
0x124: {  	v37 =	vld [tilespmem:s20+$0xC550]  }
0x125: {  	v36 =	vld [tilespmem:s20+$0xC560]  }
0x126: {  	v35 =	vld [tilespmem:s20+$0xC570]  }
0x127: {  	v34 =	vld [tilespmem:s20+$0xC900]  }
0x128: {  	v33 =	vld [tilespmem:s20+$0xC910]  }
0x129: {  	v32 =	vld [tilespmem:s20+$0xC920]  }
0x12a: {  	v31 =	vld [tilespmem:s20+$0xC930]  }
0x12b: {  	v30 =	vld [tilespmem:s20+$0xC940]  }
0x12c: {  	v29 =	vld [tilespmem:s20+$0xC950]  }
0x12d: {  	v28 =	vld [tilespmem:s20+$0xC960]  }
0x12e: {  	v27 =	vld [tilespmem:s20+$0xC970]  }
0x12f: {  	v26 =	vld [tilespmem:s20+$0xCD00]  }
0x130: {  	v25 =	vld [tilespmem:s20+$0xCD10]  }
0x131: {  	v24 =	vld [tilespmem:s20+$0xCD20]  }
0x132: {  	v23 =	vld [tilespmem:s20+$0xCD30]  }
0x133: {  	v22 =	vld [tilespmem:s20+$0xCD40]  }
0x134: {  	v21 =	vld [tilespmem:s20+$0xCD50]  }
0x135: {  	v20 =	vld [tilespmem:s20+$0xCD60]  }
0x136: {  	v19 =	vld [tilespmem:s20+$0xCD70]  }
0x137: {  	v18 =	vld [tilespmem:s20+$0xD100]  }
0x138: {  	v17 =	vld [tilespmem:s20+$0xD110]  }
0x139: {  	v16 =	vld [tilespmem:s20+$0xD120]  }
0x13a: {  	v15 =	vld [tilespmem:s20+$0xD130]  }
0x13b: {  	v14 =	vld [tilespmem:s20+$0xD140]  }
0x13c: {  	v13 =	vld [tilespmem:s20+$0xD150]  }
0x13d: {  	v12 =	vld [tilespmem:s20+$0xD160]  }
0x13e: {  	v11 =	vld [tilespmem:s20+$0xD170]  }
0x13f: {  	v10 =	vld [tilespmem:s20+$0xD500]  }
0x140: {  	v9 =	vld [tilespmem:s20+$0xD510]  }
0x141: {  	v8 =	vld [tilespmem:s20+$0xD520]  }
0x142: {  	v7 =	vld [tilespmem:s20+$0xD530]  }
0x143: {  	v6 =	vld [tilespmem:s20+$0xD540]  }
0x144: {  	v5 =	vld [tilespmem:s20+$0xD550]  }
0x145: {  	v4 =	vld [tilespmem:s20+$0xD560]  }
0x146: {  	v3 =	vld [tilespmem:s20+$0xD570]  }
0x147: {  	v51 =	vld [tilespmem:s20+$0x100]  }
0x148: {  	v52 =	vld [tilespmem:s20+$0x110]  }
0x149: {  	v53 =	vld [tilespmem:s20+$0x120]  }
0x14a: {  	v54 =	vld [tilespmem:s20+$0x130]  }
0x14b: {  	v55 =	vld [tilespmem:s20+$0x140]  }
0x14c: {  	v39 =	vadd.f32 v39, v51;
	v51 =	vld [tilespmem:s20+$0x150]  }
0x14d: {  	v40 =	vadd.f32 v40, v52;
	v52 =	vld [tilespmem:s20+$0x160]  }
0x14e: {  	[tilespmem:s20+$0x100] =	vst v39;
	v39 =	vadd.f32 v41, v53;
	v41 =	vld [tilespmem:s20+$0x170]  }
0x14f: {  	[tilespmem:s20+$0x110] =	vst v40;
	v40 =	vadd.f32 v42, v54;
	v42 =	vld [tilespmem:s20+$0x500]  }
0x150: {  	[tilespmem:s20+$0x120] =	vst v39;
	v39 =	vadd.f32 v43, v55;
	v43 =	vld [tilespmem:s20+$0x510]  }
0x151: {  	[tilespmem:s20+$0x130] =	vst v40;
	v40 =	vadd.f32 v44, v51;
	v44 =	vld [tilespmem:s20+$0x520]  }
0x152: {  	[tilespmem:s20+$0x140] =	vst v39;
	v39 =	vadd.f32 v45, v52;
	v45 =	vld [tilespmem:s20+$0x530]  }
0x153: {  	[tilespmem:s20+$0x150] =	vst v40;
	v40 =	vadd.f32 v46, v41;
	v41 =	vld [tilespmem:s20+$0x540]  }
0x154: {  	[tilespmem:s20+$0x160] =	vst v39;
	v39 =	vadd.f32 v47, v42;
	v42 =	vld [tilespmem:s20+$0x550]  }
0x155: {  	[tilespmem:s20+$0x170] =	vst v40;
	v40 =	vadd.f32 v48, v43;
	v43 =	vld [tilespmem:s20+$0x560]  }
0x156: {  	[tilespmem:s20+$0x500] =	vst v39;
	v39 =	vadd.f32 v49, v44;
	v44 =	vld [tilespmem:s20+$0x570]  }
0x157: {  	[tilespmem:s20+$0x510] =	vst v40;
	v40 =	vadd.f32 v50, v45;
	v45 =	vld [tilespmem:s20+$0x900]  }
0x158: {  	[tilespmem:s20+$0x520] =	vst v39;
	v38 =	vadd.f32 v38, v41;
	v39 =	vld [tilespmem:s20+$0x910]  }
0x159: {  	[tilespmem:s20+$0x530] =	vst v40;
	v37 =	vadd.f32 v37, v42;
	v40 =	vld [tilespmem:s20+$0x920]  }
0x15a: {  	[tilespmem:s20+$0x540] =	vst v38;
	v36 =	vadd.f32 v36, v43;
	v38 =	vld [tilespmem:s20+$0x930]  }
0x15b: {  	[tilespmem:s20+$0x550] =	vst v37;
	v35 =	vadd.f32 v35, v44;
	v37 =	vld [tilespmem:s20+$0x940]  }
0x15c: {  	[tilespmem:s20+$0x560] =	vst v36;
	v34 =	vadd.f32 v34, v45;
	v36 =	vld [tilespmem:s20+$0x950]  }
0x15d: {  	[tilespmem:s20+$0x570] =	vst v35;
	v33 =	vadd.f32 v33, v39;
	v35 =	vld [tilespmem:s20+$0x960]  }
0x15e: {  	[tilespmem:s20+$0x900] =	vst v34;
	v32 =	vadd.f32 v32, v40;
	v34 =	vld [tilespmem:s20+$0x970]  }
0x15f: {  	[tilespmem:s20+$0x910] =	vst v33;
	v31 =	vadd.f32 v31, v38;
	v33 =	vld [tilespmem:s20+$0xD00]  }
0x160: {  	[tilespmem:s20+$0x920] =	vst v32;
	v30 =	vadd.f32 v30, v37;
	v32 =	vld [tilespmem:s20+$0xD10]  }
0x161: {  	[tilespmem:s20+$0x930] =	vst v31;
	v29 =	vadd.f32 v29, v36;
	v31 =	vld [tilespmem:s20+$0xD20]  }
0x162: {  	[tilespmem:s20+$0x940] =	vst v30;
	v28 =	vadd.f32 v28, v35;
	v30 =	vld [tilespmem:s20+$0xD30]  }
0x163: {  	[tilespmem:s20+$0x950] =	vst v29;
	v27 =	vadd.f32 v27, v34;
	v29 =	vld [tilespmem:s20+$0xD40]  }
0x164: {  	[tilespmem:s20+$0x960] =	vst v28;
	v26 =	vadd.f32 v26, v33;
	v28 =	vld [tilespmem:s20+$0xD50]  }
0x165: {  	[tilespmem:s20+$0x970] =	vst v27;
	v25 =	vadd.f32 v25, v32;
	v27 =	vld [tilespmem:s20+$0xD60]  }
0x166: {  	[tilespmem:s20+$0xD00] =	vst v26;
	v24 =	vadd.f32 v24, v31;
	v26 =	vld [tilespmem:s20+$0xD70]  }
0x167: {  	[tilespmem:s20+$0xD10] =	vst v25;
	v23 =	vadd.f32 v23, v30;
	v25 =	vld [tilespmem:s20+$0x1100]  }
0x168: {  	[tilespmem:s20+$0xD20] =	vst v24;
	v22 =	vadd.f32 v22, v29;
	v24 =	vld [tilespmem:s20+$0x1110]  }
0x169: {  	[tilespmem:s20+$0xD30] =	vst v23;
	v21 =	vadd.f32 v21, v28;
	v23 =	vld [tilespmem:s20+$0x1120]  }
0x16a: {  	[tilespmem:s20+$0xD40] =	vst v22;
	v20 =	vadd.f32 v20, v27;
	v22 =	vld [tilespmem:s20+$0x1130]  }
0x16b: {  	[tilespmem:s20+$0xD50] =	vst v21;
	v19 =	vadd.f32 v19, v26;
	v21 =	vld [tilespmem:s20+$0x1140]  }
0x16c: {  	[tilespmem:s20+$0xD60] =	vst v20;
	v18 =	vadd.f32 v18, v25;
	v20 =	vld [tilespmem:s20+$0x1150]  }
0x16d: {  	[tilespmem:s20+$0xD70] =	vst v19;
	v17 =	vadd.f32 v17, v24;
	v19 =	vld [tilespmem:s20+$0x1160]  }
.Ltmp0:
0x16e: {  	[tilespmem:s20+$0x1100] =	vst v18;
	v18 =	vadd.f32 v16, v23;
	v16 =	vld [tilespmem:s20+$0x1170];
	(pc) =	sbr.rel @p0 .LBB2_2-.Ltmp0, $4  }
0x16f: {  	[tilespmem:s20+$0x1110] =	vst v17;
	v17 =	vadd.f32 v15, v22;
	v15 =	vld [tilespmem:s20+$0x1500]  }
0x170: {  	[tilespmem:s20+$0x1120] =	vst v18;
	v21 =	vadd.f32 v14, v21;
	v14 =	vld [tilespmem:s20+$0x1510]  }
0x171: {  	[tilespmem:s20+$0x1130] =	vst v17;
	v18 =	vadd.f32 v13, v20;
	v13 =	vld [tilespmem:s20+$0x1520]  }
0x172: {  	s21 =	sadd.s32 $0x1, s21;
	[tilespmem:s20+$0x1140] =	vst v21;
	v17 =	vadd.f32 v12, v19;
	v12 =	vld [tilespmem:s20+$0x1530]  }
0x173: {  	[tilespmem:s20+$0x1150] =	vst v18;
	v60 =	vld [tilespmem:s20+$0x1540];
	v11 =	vadd.f32 v11, v16  }
0x174: {  	v61 =	vld [tilespmem:s20+$0x1550];
	[tilespmem:s20+$0x1160] =	vst v17;
	v10 =	vadd.f32 v10, v15  }
0x175: {  	v62 =	vld [tilespmem:s20+$0x1560];
	[tilespmem:s20+$0x1170] =	vst v11;
	v9 =	vadd.f32 v9, v14  }
0x176: {  	v63 =	vld [tilespmem:s20+$0x1570];
	[tilespmem:s20+$0x1500] =	vst v10;
	v8 =	vadd.f32 v8, v13  }
0x177: {  	[tilespmem:s20+$0x1510] =	vst v9;
	v7 =	vadd.f32 v7, v12  }
0x178: {  	[tilespmem:s20+$0x1520] =	vst v8;
	v6 =	vadd.f32 v6, v60  }
0x179: {  	v5 =	vadd.f32 v5, v61;
	[tilespmem:s20+$0x1530] =	vst v7  }
0x17a: {  	v4 =	vadd.f32 v4, v62;
	[tilespmem:s20+$0x1540] =	vst v6  }
0x17b: {  	s19 =	sadd.s32 $0x1, s19;
	v3 =	vadd.f32 v3, v63;
	[tilespmem:s20+$0x1550] =	vst v5  }
0x17c: {  	p0 =	sne.s32 s19, s9;
	[tilespmem:s20+$0x1560] =	vst v4  }
.Ltmp1:
0x17d: {  	[tilespmem:s20+$0x1570] =	vst v3;
	(pc) =	sbr.rel @p0 .LBB2_1-.Ltmp1, $4  }
0x17e: {  	[hbm4b:s8+s2] =	stream.linear.scatter [tilespmem:s12], [sflag:$0x2], $0xC000, $0x38;
	[tilespmem:$0x18100] =	vst v63  }
0x17f: {  	_ =	swait.ge [sflag:s18], $0xC000  }
0x180: {  	[sflag:s18] =	ssyncset.done $0x0  }
0x181: {  	[sflag:s18] =	ssyncadd.s32 $0xFFFF4000  }
0x182: {  	_ =	sfence.sel $0x180000  }
0x183: {  	[bflag:$0x0] =	sbarrier.arrive $0xFFFF  }
0x184: {  	_ =	strace $0x9000004A  }
0x185: {  	s0 =	stileid.u32;
	[bflag:$0x2] =	sbarrier.arrive $0xFFFF  }
0x186: {  	p0 =	sne.s32 s0, $0x0;
	s0 =	rddreg [dreg:$0x2]  }
0x187: {  	s0 =	sadd.s32 @!p0 $0x100000, s0  }
0x188: {  	[sflag:s0] =	ssyncadd.tile.s32 @!p0 $0x1;
	_ =	shalt  }
.Lfunc_end2:
_tile_overlayer_lowered:
.L_overlay_start_2:
0x189: {  	(tag) =	ssettag $0x2  }
0x18a: {  	s0 =	rddreg [dreg:$0x0];
	s2 =	stileid.u32  }
0x18b: {  	s1 =	rddreg [dreg:$0x1];
	p0 =	sne.s32 s2, $0x0  }
0x18c: {  	s3 =	rddreg [dreg:$0x2];
	[bflag:$0x3] =	sbarrier.arrive $0xFFFF;
	s2 =	simm.s32 @!p0 $0x1C02  }
0x18d: {  	[timem:s3], [sflag:s2] =	dma.local @!p0 [hbm:s0], s1  }
0x18e: {  	s0 =	simm.s32 @!p0 $0x2  }
0x18f: {  	_ =	swait.ge @!p0 [sflag:s0], s1  }
0x190: {  	s1 =	ssub.s32 @!p0 $0x0, s1;
	[sflag:s0] =	ssyncset.done @!p0 $0x0  }
0x191: {  	[sflag:s0] =	ssyncadd.s32 @!p0 s1  }
0x192: {  	[bflag:$0x3] =	sbarrier.arrive $0xFFFF  }
0x193: {  	_ =	shalt  }

</sc_bundles>
